<compile_context>
chip_gen: v7x
topology: tpu7x:2x2x1
jax: 0.10.2.dev20260603
libtpu: 0.0.44.dev20260713+nightly
codegen_flags: <defaults>
</compile_context>

<pallas_src>
import functools

import numpy as np
import jax
import jax.numpy as jnp
from jax import lax
from jax.experimental import pallas as pl
from jax.experimental.pallas import tpu as pltpu
from jax.experimental.pallas import tpu_sc as plsc

CHUNK = 128


def _sc_gather(item_table, user_table, hist_idx, user_idx, tgt_idx):
    n_pk = hist_idx.size // 2
    n_b = user_idx.shape[0]
    e = item_table.shape[1]

    info = plsc.get_sparse_core_info()
    nc, ns = info.num_cores, info.num_subcores
    nw = nc * ns

    gsz = CHUNK // 2
    ppw = n_pk // nw
    n_chunks = ppw // gsz
    bpw = n_b // nw

    ts = hist_idx.shape[1]
    hist_idx2 = hist_idx
    user_idx2 = user_idx.reshape(nw, 1, bpw)
    tgt_idx2 = tgt_idx.reshape(nw, 1, bpw)

    mesh = plsc.VectorSubcoreMesh(core_axis_name="c", subcore_axis_name="s")

    @functools.partial(
        pl.kernel,
        mesh=mesh,
        compiler_params=pltpu.CompilerParams(use_tc_tiling_on_sc=False),
        out_type=[
            jax.ShapeDtypeStruct((n_pk, 2 * e), jnp.float32),
            jax.ShapeDtypeStruct((n_b, e), jnp.float32),
            jax.ShapeDtypeStruct((n_b, e), jnp.float32),
        ],
        scratch_types=[
            pltpu.VMEM((2 * n_chunks, ts), jnp.int32),
            pltpu.VMEM((n_chunks, CHUNK), jnp.int32),
            pltpu.VMEM((CHUNK, e), jnp.float32),
            pltpu.VMEM((CHUNK, e), jnp.float32),
            pltpu.VMEM((CHUNK, e), jnp.float32),
            pltpu.VMEM((CHUNK, e), jnp.float32),
            pltpu.VMEM((bpw, e), jnp.float32),
            pltpu.VMEM((1, bpw), jnp.int32),
            pltpu.SemaphoreType.DMA,
            pltpu.SemaphoreType.DMA,
            pltpu.SemaphoreType.DMA,
            pltpu.SemaphoreType.DMA,
            pltpu.SemaphoreType.DMA,
            pltpu.SemaphoreType.DMA,
        ],
    )
    def gather_kernel(item_tab, user_tab, h_idx, u_idx, t_idx,
                      hist_out, user_out, tgt_out,
                      idx_v, idx_b, r0, r1, r2, r3, rows_s, idx_small,
                      g0, g1, w0, w1, w2, w3):
        wid = lax.axis_index("s") * nc + lax.axis_index("c")
        pltpu.sync_copy(h_idx.at[pl.ds(wid * 2 * n_chunks, 2 * n_chunks)],
                        idx_v)
        pbase = wid * ppw
        bufs = (r0, r1, r2, r3)
        gsems = (g0, g1)
        wsems = (w0, w1, w2, w3)
        G = 8

        def shuffle(j, carry):
            for dst, row_off, src in ((0, 0, 0), (16, 0, 16),
                                      (32, 1, 0), (48, 1, 16),
                                      (64, 0, 32), (80, 0, 48),
                                      (96, 1, 32), (112, 1, 48)):
                idx_b[j, pl.ds(dst, 16)] = idx_v[2 * j + row_off,
                                                 pl.ds(src, 16)]
            return carry

        lax.fori_loop(0, n_chunks, shuffle, 0)

        def start_gather(j, u):
            return pltpu.async_copy(item_tab.at[idx_b.at[j]],
                                    bufs[u % 4], gsems[u % 2])

        def start_writes(j, u):
            row0 = pbase + j * gsz
            buf = bufs[u % 4]
            c0 = pltpu.async_copy(buf.at[pl.ds(0, gsz)],
                                  hist_out.at[pl.ds(row0, gsz), pl.ds(0, e)],
                                  wsems[u % 4])
            c1 = pltpu.async_copy(buf.at[pl.ds(gsz, gsz)],
                                  hist_out.at[pl.ds(row0, gsz), pl.ds(e, e)],
                                  wsems[u % 4])
            return c0, c1

        def group(g, carry):
            jb = g * G
            hs = {0: start_gather(jb, 0)}
            ws = {}
            for u in range(G):
                if u + 1 < G:
                    if u + 1 >= 4:
                        for c in ws[u - 3]:
                            c.wait()
                    hs[u + 1] = start_gather(jb + u + 1, u + 1)
                hs[u].wait()
                ws[u] = start_writes(jb + u, u)
            for u in range(G - 4, G):
                for c in ws[u]:
                    c.wait()
            return carry

        lax.fori_loop(0, n_chunks // G, group, 0)

        base = wid * bpw
        pltpu.sync_copy(u_idx.at[wid], idx_small)
        pltpu.async_copy(user_tab.at[idx_small.at[0]], rows_s, g0).wait()
        pltpu.sync_copy(rows_s, user_out.at[pl.ds(base, bpw)])
        pltpu.sync_copy(t_idx.at[wid], idx_small)
        pltpu.async_copy(item_tab.at[idx_small.at[0]], rows_s, g0).wait()
        pltpu.sync_copy(rows_s, tgt_out.at[pl.ds(base, bpw)])

    return gather_kernel(item_table, user_table, hist_idx2,
                         user_idx2, tgt_idx2)


def _tc_body(bt, t_real, ts, e,
             hist_ref, te_ref, ue_ref, hl_ref, uf_ref, if_ref,
             wuf_ref, buf_ref, wif_ref, bif_ref,
             wa1_ref, ba1_ref, wa2_ref, ba2_ref, wa3_ref, ba3_ref,
             wu1_ref, bu1_ref, wu2_ref, bu2_ref, wu3_ref,
             wi1_ref, bi1_ref, wi2_ref, bi2_ref, wi3_ref,
             out_ref):
    f32 = jnp.float32
    th = ts // 2
    q = te_ref[...]
    xp = hist_ref[...]
    wa1 = wa1_ref[...]
    a_blk = wa1[0:e]
    b_blk = wa1[e:2 * e]
    c_blk = wa1[2 * e:3 * e]
    d_blk = wa1[3 * e:4 * e]

    ze = jnp.zeros((e, e), f32)
    bc = b_blk - c_blk
    w_top = jnp.concatenate([jnp.concatenate([bc, ze], 1),
                             jnp.concatenate([ze, bc], 1)], 0)
    w_bot = jnp.concatenate([jnp.concatenate([d_blk, ze], 1),
                             jnp.concatenate([ze, d_blk], 1)], 0)

    q2 = jnp.concatenate([q, q], axis=1)
    xp3 = xp.reshape(bt, th, 2 * e)
    prodp = xp3 * q2[:, None, :]

    y = (jnp.dot(xp, w_top, preferred_element_type=f32)
         + jnp.dot(prodp.reshape(bt * th, 2 * e), w_bot,
                   preferred_element_type=f32))
    qpart = jnp.dot(q, a_blk + c_blk, preferred_element_type=f32) + ba1_ref[...]
    qp2 = jnp.concatenate([qpart, qpart], axis=1)
    h1 = jax.nn.sigmoid(y.reshape(bt, th, 2 * e) + qp2[:, None, :])

    wa2 = wa2_ref[...]
    nh = wa2.shape[1]
    z16 = jnp.zeros((e, nh), f32)
    w22 = jnp.concatenate([jnp.concatenate([wa2, z16], 1),
                           jnp.concatenate([z16, wa2], 1)], 0)
    ba2 = ba2_ref[...]
    ba22 = jnp.concatenate([ba2, ba2], axis=1)
    h2 = jax.nn.sigmoid(
        jnp.dot(h1.reshape(bt * th, 2 * e), w22, preferred_element_type=f32)
        + ba22)
    h23 = h2.reshape(bt, th, 2 * nh)
    wa3 = wa3_ref[...]
    z1 = jnp.zeros((1, nh), f32)
    wa3e = jnp.concatenate([wa3, z1], 1)[None, :, :]
    wa3o = jnp.concatenate([z1, wa3], 1)[None, :, :]
    se = jnp.sum(h23 * wa3e, axis=-1)
    so = jnp.sum(h23 * wa3o, axis=-1)
    score = jnp.concatenate([se, so], axis=1) + ba3_ref[0, 0]

    hl = hl_ref[...]
    pos = lax.broadcasted_iota(jnp.int32, (bt, ts), 1)
    score = jnp.where(pos < hl, score,
                      jnp.where(pos < t_real, -1e9, -2e9))
    m = jnp.max(score, axis=1, keepdims=True)
    ex = jnp.exp(score - m)
    attn = ex / jnp.sum(ex, axis=1, keepdims=True)
    ae = attn[:, :th, None]
    ao = attn[:, th:, None]
    a2 = jnp.concatenate([jnp.broadcast_to(ae, (bt, th, e)),
                          jnp.broadcast_to(ao, (bt, th, e))], axis=-1)
    hp128 = jnp.sum(xp3 * a2, axis=1)
    history = hp128[:, :e] + hp128[:, e:]

    user_feat = jax.nn.sigmoid(
        jnp.dot(uf_ref[...], wuf_ref[...], preferred_element_type=f32) + buf_ref[...])
    item_feat = jax.nn.sigmoid(
        jnp.dot(if_ref[...], wif_ref[...], preferred_element_type=f32) + bif_ref[...])

    cu = jnp.concatenate([ue_ref[...], history, user_feat], axis=1)
    u = jax.nn.relu(jnp.dot(cu, wu1_ref[...], preferred_element_type=f32) + bu1_ref[...])
    u = jax.nn.relu(jnp.dot(u, wu2_ref[...], preferred_element_type=f32) + bu2_ref[...])
    u = jax.nn.relu(jnp.dot(u, wu3_ref[...], preferred_element_type=f32))

    ci = jnp.concatenate([q, item_feat], axis=1)
    it = jax.nn.relu(jnp.dot(ci, wi1_ref[...], preferred_element_type=f32) + bi1_ref[...])
    it = jax.nn.relu(jnp.dot(it, wi2_ref[...], preferred_element_type=f32) + bi2_ref[...])
    it = jax.nn.relu(jnp.dot(it, wi3_ref[...], preferred_element_type=f32))

    out_ref[...] = jnp.sum(u * it, axis=1, keepdims=True)


def _tc_fused(hist_pk, tgt_emb, user_emb, history_len,
              user_features, item_features, p, t_real, bt):
    b, e = tgt_emb.shape
    ts = hist_pk.shape[0] * 128 // (b * e)
    th = ts // 2
    grid = (b // bt,)

    def full(shape):
        return pl.BlockSpec(shape, lambda i: (0,) * len(shape))

    in_specs = [
        pl.BlockSpec((bt * th, 128), lambda i: (i, 0)),
        pl.BlockSpec((bt, e), lambda i: (i, 0)),
        pl.BlockSpec((bt, e), lambda i: (i, 0)),
        pl.BlockSpec((bt, 1), lambda i: (i, 0)),
        pl.BlockSpec((bt, p['W_uf'].shape[0]), lambda i: (i, 0)),
        pl.BlockSpec((bt, p['W_if'].shape[0]), lambda i: (i, 0)),
        full(p['W_uf'].shape), full((1, e)),
        full(p['W_if'].shape), full((1, e)),
        full(p['Wa1'].shape), full((1, 64)),
        full(p['Wa2'].shape), full((1, 16)),
        full((1, 16)), full((1, 1)),
        full(p['Wu1'].shape), full((1, 200)),
        full(p['Wu2'].shape), full((1, 80)),
        full(p['Wu3'].shape),
        full(p['Wi1'].shape), full((1, 200)),
        full(p['Wi2'].shape), full((1, 80)),
        full(p['Wi3'].shape),
    ]
    out_spec = pl.BlockSpec((bt, 1), lambda i: (i, 0))

    body = functools.partial(_tc_body, bt, t_real, ts, e)
    return pl.pallas_call(
        body,
        grid=grid,
        in_specs=in_specs,
        out_specs=out_spec,
        out_shape=jax.ShapeDtypeStruct((b, 1), jnp.float32),
    )(
        hist_pk, tgt_emb, user_emb, history_len.reshape(b, 1).astype(jnp.int32),
        user_features, item_features,
        p['W_uf'], p['b_uf'].reshape(1, -1),
        p['W_if'], p['b_if'].reshape(1, -1),
        p['Wa1'], p['ba1'].reshape(1, -1),
        p['Wa2'], p['ba2'].reshape(1, -1),
        p['Wa3'].reshape(1, -1), p['ba3'].reshape(1, 1),
        p['Wu1'], p['bu1'].reshape(1, -1),
        p['Wu2'], p['bu2'].reshape(1, -1),
        p['Wu3'],
        p['Wi1'], p['bi1'].reshape(1, -1),
        p['Wi2'], p['bi2'].reshape(1, -1),
        p['Wi3'],
    )


def kernel(user_id, target_item_id, history_item_id, history_len,
           user_features, item_features, params):
    p = params
    b, t = history_item_id.shape
    uid = user_id.reshape(b).astype(jnp.int32)
    tid = target_item_id.reshape(b).astype(jnp.int32)
    ts = 64
    hid = history_item_id.astype(jnp.int32)
    hist_idx = jnp.concatenate([hid, hid[:, :ts - t]], axis=1)

    hist_pk, user_emb, tgt_emb = _sc_gather(
        p['item_table'], p['user_table'], hist_idx, uid, tid)

    return _tc_fused(hist_pk, tgt_emb, user_emb, history_len,
                     user_features, item_features, p, t_real=t, bt=512)

# --- scband reference (transcript-rebuilt; emitter-appended) ---
"""Pipeline reference for scband-deep-interest-network-2tower-36739150250468 (READ-ONLY COPY).

The authoritative reference and input builder live on the scoring server;
editing this copy changes nothing except your own understanding.
"""

import jax, jax.numpy as jnp
import numpy as np

B, T, E = 4096, 50, 64
N_ITEM = 100000
N_USER = 100000
D_UF, D_IF = 128, 128


def _init_params(key):
    ks = jax.random.split(key, 16)
    def g(k, shape, fan_in):
        return jax.random.normal(k, shape, jnp.float32) * (1.0 / np.sqrt(fan_in))
    p = {}
    p['user_table'] = g(ks[0], (N_USER, E), E)
    p['item_table'] = g(ks[1], (N_ITEM, E), E)
    p['W_uf'] = g(ks[2], (D_UF, E), D_UF); p['b_uf'] = jnp.zeros((E,), jnp.float32)
    p['W_if'] = g(ks[3], (D_IF, E), D_IF); p['b_if'] = jnp.zeros((E,), jnp.float32)
    p['Wa1'] = g(ks[4], (4 * E, 64), 4 * E); p['ba1'] = jnp.zeros((64,), jnp.float32)
    p['Wa2'] = g(ks[5], (64, 16), 64); p['ba2'] = jnp.zeros((16,), jnp.float32)
    p['Wa3'] = g(ks[6], (16, 1), 16); p['ba3'] = jnp.zeros((1,), jnp.float32)
    p['Wu1'] = g(ks[7], (3 * E, 200), 3 * E); p['bu1'] = jnp.zeros((200,), jnp.float32)
    p['Wu2'] = g(ks[8], (200, 80), 200); p['bu2'] = jnp.zeros((80,), jnp.float32)
    p['Wu3'] = g(ks[9], (80, E), 80)
    p['Wi1'] = g(ks[10], (2 * E, 200), 2 * E); p['bi1'] = jnp.zeros((200,), jnp.float32)
    p['Wi2'] = g(ks[11], (200, 80), 200); p['bi2'] = jnp.zeros((80,), jnp.float32)
    p['Wi3'] = g(ks[12], (80, E), 80)
    return p


def setup_inputs(seed: int = 0):
    key = jax.random.key(seed)
    k = jax.random.split(key, 8)
    return {
        'user_id': jax.random.randint(k[0], (B, 1), 0, N_USER),
        'target_item_id': jax.random.randint(k[1], (B, 1), 0, N_ITEM),
        'history_item_id': jax.random.randint(k[2], (B, T), 0, N_ITEM),
        'history_len': jax.random.randint(k[3], (B,), 0, 50),
        'user_features': jax.random.normal(k[4], (B, D_UF), jnp.float32),
        'item_features': jax.random.normal(k[5], (B, D_IF), jnp.float32),
        'params': _init_params(k[6]),
    }


def _forward(params, user_id, target_item_id, history_item_id, history_len, user_features, item_features):
    # embedding lookups
    user_emb = jnp.take(params['user_table'], user_id, axis=0)          # (B,1,E)
    target_emb = jnp.take(params['item_table'], target_item_id, axis=0)  # (B,1,E)
    hist_emb = jnp.take(params['item_table'], history_item_id, axis=0)   # (B,T,E)
    # dense feature towers (sigmoid)
    item_feat = jax.nn.sigmoid(item_features @ params['W_if'] + params['b_if'])  # (B,E)
    user_feat = jax.nn.sigmoid(user_features @ params['W_uf'] + params['b_uf'])  # (B,E)
    # attention sequence pooling (local activation unit)
    q = jnp.broadcast_to(target_emb, hist_emb.shape)  # (B,T,E)
    att_in = jnp.concatenate([q, hist_emb, q - hist_emb, q * hist_emb], axis=-1)  # (B,T,4E)
    h = jax.nn.sigmoid(att_in @ params['Wa1'] + params['ba1'])
    h = jax.nn.sigmoid(h @ params['Wa2'] + params['ba2'])
    score = (h @ params['Wa3'] + params['ba3'])[..., 0]  # (B,T)
    mask = jnp.arange(T)[None, :] < history_len[:, None]
    score = jnp.where(mask, score, -1e9)
    attn = jax.nn.softmax(score, axis=-1)               # (B,T)
    history = jnp.einsum('bt,bte->be', attn, hist_emb)  # (B,E)
    # user tower
    cu = jnp.concatenate([user_emb[:, 0, :], history, user_feat], axis=1)  # (B,3E)
    u = jax.nn.relu(cu @ params['Wu1'] + params['bu1'])
    u = jax.nn.relu(u @ params['Wu2'] + params['bu2'])
    u = jax.nn.relu(u @ params['Wu3'])
    # item tower
    ci = jnp.concatenate([target_emb[:, 0, :], item_feat], axis=1)  # (B,2E)
    it = jax.nn.relu(ci @ params['Wi1'] + params['bi1'])
    it = jax.nn.relu(it @ params['Wi2'] + params['bi2'])
    it = jax.nn.relu(it @ params['Wi3'])
    return jnp.sum(u * it, axis=1, keepdims=True)  # (B,1)


def reference(user_id, target_item_id, history_item_id, history_len, user_features, item_features, params):
    return _forward(params, user_id, target_item_id, history_item_id, history_len, user_features, item_features)

if __name__ == "__main__":
    import jax
    _d = setup_inputs()
    print(jax.jit(kernel)(*tuple(_d.values())))

</pallas_src>

<mosaic_0001>
#map = affine_map<(d0, d1) -> (0, 0)>
#map1 = affine_map<(d0, d1) -> (0, 0, 0)>
module attributes {stable_mosaic.version = 14 : i64} {
  func.func @gather_kernel(%arg0: i32, %arg1: i32, %arg2: memref<100000x64xf32, #tpu.memory_space<hbm>>, %arg3: memref<100000x64xf32, #tpu.memory_space<hbm>>, %arg4: memref<4096x64xi32, #tpu.memory_space<hbm>>, %arg5: memref<32x1x128xi32, #tpu.memory_space<hbm>>, %arg6: memref<32x1x128xi32, #tpu.memory_space<hbm>>, %arg7: memref<131072x128xf32, #tpu.memory_space<hbm>>, %arg8: memref<4096x64xf32, #tpu.memory_space<hbm>>, %arg9: memref<4096x64xf32, #tpu.memory_space<hbm>>, %arg10: memref<128x64xi32, #tpu.memory_space<vmem>>, %arg11: memref<64x128xi32, #tpu.memory_space<vmem>>, %arg12: memref<128x64xf32, #tpu.memory_space<vmem>>, %arg13: memref<128x64xf32, #tpu.memory_space<vmem>>, %arg14: memref<128x64xf32, #tpu.memory_space<vmem>>, %arg15: memref<128x64xf32, #tpu.memory_space<vmem>>, %arg16: memref<128x64xf32, #tpu.memory_space<vmem>>, %arg17: memref<1x128xi32, #tpu.memory_space<vmem>>, %arg18: memref<!tpu.dma_semaphore, #tpu.memory_space<semaphore_mem>>, %arg19: memref<!tpu.dma_semaphore, #tpu.memory_space<semaphore_mem>>, %arg20: memref<!tpu.dma_semaphore, #tpu.memory_space<semaphore_mem>>, %arg21: memref<!tpu.dma_semaphore, #tpu.memory_space<semaphore_mem>>, %arg22: memref<!tpu.dma_semaphore, #tpu.memory_space<semaphore_mem>>, %arg23: memref<!tpu.dma_semaphore, #tpu.memory_space<semaphore_mem>>) attributes {dimension_semantics = [#tpu.dimension_semantics<core_parallel>, #tpu.dimension_semantics<subcore_parallel>], iteration_bounds = array<i64: 2, 16>, scalar_prefetch = 0 : i64, scratch_operands = 14 : i64, tpu.core_type = #tpu.core_type<sc_vector_subcore>, window_params = [{transform_indices = #map}, {transform_indices = #map}, {transform_indices = #map}, {transform_indices = #map1}, {transform_indices = #map1}, {transform_indices = #map}, {transform_indices = #map}, {transform_indices = #map}]} {
    %mul3A = arith.constant 2 : i32
    %mul3A_0 = arith.muli %arg1, %mul3A : i32
    %add3A = arith.addi %mul3A_0, %arg0 : i32
    %mul3A_1 = arith.constant 2 : i32
    %mul3A_2 = arith.muli %add3A, %mul3A_1 : i32
    %mul3A_3 = arith.constant 64 : i32
    %mul3A_4 = arith.muli %mul3A_2, %mul3A_3 : i32
    "tpu.region"() ({
      %run_scoped3A = tpu.sem_alloc : memref<!tpu.dma_semaphore, #tpu.memory_space<semaphore_mem>>
      %dma_start3A_46 = arith.constant 0 : i32
      %dma_start3A_47 = tpu.memref_slice %arg4[%mul3A_4, %dma_start3A_46] : memref<4096x64xi32, #tpu.memory_space<hbm>> -> memref<128x64xi32, #tpu.memory_space<hbm>>
      %dma_start3A_48 = arith.constant 0 : i32
      %dma_start3A_49 = tpu.memref_slice %arg4[%mul3A_4, %dma_start3A_48] : memref<4096x64xi32, #tpu.memory_space<hbm>> -> memref<128x64xi32, #tpu.memory_space<hbm>>
      tpu.enqueue_dma source(%dma_start3A_49 : memref<128x64xi32, #tpu.memory_space<hbm>>) target(%arg10 : memref<128x64xi32, #tpu.memory_space<vmem>>) target_semaphore(%run_scoped3A : memref<!tpu.dma_semaphore, #tpu.memory_space<semaphore_mem>>)
      %dma_wait3A_50 = arith.constant 0 : i32
      %dma_wait3A_51 = tpu.memref_slice %arg4[%mul3A_4, %dma_wait3A_50] : memref<4096x64xi32, #tpu.memory_space<hbm>> -> memref<128x64xi32, #tpu.memory_space<hbm>>
      %dma_wait3A_52 = arith.constant 0 : i32
      %dma_wait3A_53 = tpu.memref_slice %arg4[%mul3A_4, %dma_wait3A_52] : memref<4096x64xi32, #tpu.memory_space<hbm>> -> memref<128x64xi32, #tpu.memory_space<hbm>>
      tpu.wait_dma2 semaphore(%run_scoped3A : memref<!tpu.dma_semaphore, #tpu.memory_space<semaphore_mem>>) src(%dma_wait3A_53 : memref<128x64xi32, #tpu.memory_space<hbm>>) dst(%arg10 : memref<128x64xi32, #tpu.memory_space<vmem>>)
      tpu.yield
    }) : () -> ()
    %mul3A_5 = arith.constant 4096 : i32
    %mul3A_6 = arith.muli %add3A, %mul3A_5 : i32
    %scan3A = arith.constant 0 : i32
    %scan3A_7 = arith.constant 0 : i32
    %scan3A_8 = arith.constant 64 : i32
    %scan3A_9 = arith.addi %scan3A_7, %scan3A_8 : i32
    %scan3A_10 = arith.constant 1 : i32
    scf.for %scan3A_46 = %scan3A_7 to %scan3A_9 step %scan3A_10  : i32 {
      %mul3A_47 = arith.constant 2 : i32
      %mul3A_48 = arith.muli %mul3A_47, %scan3A_46 : i32
      %add3A_49 = arith.constant 0 : i32
      %add3A_50 = arith.addi %mul3A_48, %add3A_49 : i32
      %get3A = arith.index_cast %add3A_50 : i32 to index
      %get3A_51 = arith.constant 0 : index
      %get3A_52 = tpu.vector_load %arg10[%get3A, %get3A_51] {strides = array<i32>} : memref<128x64xi32, #tpu.memory_space<vmem>>, vector<1x16xi32>,
      %get3A_53 = vector.shape_cast %get3A_52 : vector<1x16xi32> to vector<16xi32>
      %swap3A = arith.index_cast %scan3A_46 : i32 to index
      %swap3A_54 = arith.constant 0 : index
      %swap3A_55 = tpu.vector_load %arg11[%swap3A, %swap3A_54] {strides = array<i32>} : memref<64x128xi32, #tpu.memory_space<vmem>>, vector<1x16xi32>,
      %swap3A_56 = vector.shape_cast %swap3A_55 : vector<1x16xi32> to vector<16xi32>
      %swap3A_57 = vector.shape_cast %get3A_53 : vector<16xi32> to vector<1x16xi32>
      tpu.vector_store %arg11[%swap3A, %swap3A_54], %swap3A_57 {strides = array<i32>} : memref<64x128xi32, #tpu.memory_space<vmem>>, vector<1x16xi32>,
      %mul3A_58 = arith.constant 2 : i32
      %mul3A_59 = arith.muli %mul3A_58, %scan3A_46 : i32
      %add3A_60 = arith.constant 0 : i32
      %add3A_61 = arith.addi %mul3A_59, %add3A_60 : i32
      %get3A_62 = arith.index_cast %add3A_61 : i32 to index
      %get3A_63 = arith.constant 16 : index
      %get3A_64 = tpu.vector_load %arg10[%get3A_62, %get3A_63] {strides = array<i32>} : memref<128x64xi32, #tpu.memory_space<vmem>>, vector<1x16xi32>,
      %get3A_65 = vector.shape_cast %get3A_64 : vector<1x16xi32> to vector<16xi32>
      %swap3A_66 = arith.index_cast %scan3A_46 : i32 to index
      %swap3A_67 = arith.constant 16 : index
      %swap3A_68 = tpu.vector_load %arg11[%swap3A_66, %swap3A_67] {strides = array<i32>} : memref<64x128xi32, #tpu.memory_space<vmem>>, vector<1x16xi32>,
      %swap3A_69 = vector.shape_cast %swap3A_68 : vector<1x16xi32> to vector<16xi32>
      %swap3A_70 = vector.shape_cast %get3A_65 : vector<16xi32> to vector<1x16xi32>
      tpu.vector_store %arg11[%swap3A_66, %swap3A_67], %swap3A_70 {strides = array<i32>} : memref<64x128xi32, #tpu.memory_space<vmem>>, vector<1x16xi32>,
      %mul3A_71 = arith.constant 2 : i32
      %mul3A_72 = arith.muli %mul3A_71, %scan3A_46 : i32
      %add3A_73 = arith.constant 1 : i32
      %add3A_74 = arith.addi %mul3A_72, %add3A_73 : i32
      %get3A_75 = arith.index_cast %add3A_74 : i32 to index
      %get3A_76 = arith.constant 0 : index
      %get3A_77 = tpu.vector_load %arg10[%get3A_75, %get3A_76] {strides = array<i32>} : memref<128x64xi32, #tpu.memory_space<vmem>>, vector<1x16xi32>,
      %get3A_78 = vector.shape_cast %get3A_77 : vector<1x16xi32> to vector<16xi32>
      %swap3A_79 = arith.index_cast %scan3A_46 : i32 to index
      %swap3A_80 = arith.constant 32 : index
      %swap3A_81 = tpu.vector_load %arg11[%swap3A_79, %swap3A_80] {strides = array<i32>} : memref<64x128xi32, #tpu.memory_space<vmem>>, vector<1x16xi32>,
      %swap3A_82 = vector.shape_cast %swap3A_81 : vector<1x16xi32> to vector<16xi32>
      %swap3A_83 = vector.shape_cast %get3A_78 : vector<16xi32> to vector<1x16xi32>
      tpu.vector_store %arg11[%swap3A_79, %swap3A_80], %swap3A_83 {strides = array<i32>} : memref<64x128xi32, #tpu.memory_space<vmem>>, vector<1x16xi32>,
      %mul3A_84 = arith.constant 2 : i32
      %mul3A_85 = arith.muli %mul3A_84, %scan3A_46 : i32
      %add3A_86 = arith.constant 1 : i32
      %add3A_87 = arith.addi %mul3A_85, %add3A_86 : i32
      %get3A_88 = arith.index_cast %add3A_87 : i32 to index
      %get3A_89 = arith.constant 16 : index
      %get3A_90 = tpu.vector_load %arg10[%get3A_88, %get3A_89] {strides = array<i32>} : memref<128x64xi32, #tpu.memory_space<vmem>>, vector<1x16xi32>,
      %get3A_91 = vector.shape_cast %get3A_90 : vector<1x16xi32> to vector<16xi32>
      %swap3A_92 = arith.index_cast %scan3A_46 : i32 to index
      %swap3A_93 = arith.constant 48 : index
      %swap3A_94 = tpu.vector_load %arg11[%swap3A_92, %swap3A_93] {strides = array<i32>} : memref<64x128xi32, #tpu.memory_space<vmem>>, vector<1x16xi32>,
      %swap3A_95 = vector.shape_cast %swap3A_94 : vector<1x16xi32> to vector<16xi32>
      %swap3A_96 = vector.shape_cast %get3A_91 : vector<16xi32> to vector<1x16xi32>
      tpu.vector_store %arg11[%swap3A_92, %swap3A_93], %swap3A_96 {strides = array<i32>} : memref<64x128xi32, #tpu.memory_space<vmem>>, vector<1x16xi32>,
      %mul3A_97 = arith.constant 2 : i32
      %mul3A_98 = arith.muli %mul3A_97, %scan3A_46 : i32
      %add3A_99 = arith.constant 0 : i32
      %add3A_100 = arith.addi %mul3A_98, %add3A_99 : i32
      %get3A_101 = arith.index_cast %add3A_100 : i32 to index
      %get3A_102 = arith.constant 32 : index
      %get3A_103 = tpu.vector_load %arg10[%get3A_101, %get3A_102] {strides = array<i32>} : memref<128x64xi32, #tpu.memory_space<vmem>>, vector<1x16xi32>,
      %get3A_104 = vector.shape_cast %get3A_103 : vector<1x16xi32> to vector<16xi32>
      %swap3A_105 = arith.index_cast %scan3A_46 : i32 to index
      %swap3A_106 = arith.constant 64 : index
      %swap3A_107 = tpu.vector_load %arg11[%swap3A_105, %swap3A_106] {strides = array<i32>} : memref<64x128xi32, #tpu.memory_space<vmem>>, vector<1x16xi32>,
      %swap3A_108 = vector.shape_cast %swap3A_107 : vector<1x16xi32> to vector<16xi32>
      %swap3A_109 = vector.shape_cast %get3A_104 : vector<16xi32> to vector<1x16xi32>
      tpu.vector_store %arg11[%swap3A_105, %swap3A_106], %swap3A_109 {strides = array<i32>} : memref<64x128xi32, #tpu.memory_space<vmem>>, vector<1x16xi32>,
      %mul3A_110 = arith.constant 2 : i32
      %mul3A_111 = arith.muli %mul3A_110, %scan3A_46 : i32
      %add3A_112 = arith.constant 0 : i32
      %add3A_113 = arith.addi %mul3A_111, %add3A_112 : i32
      %get3A_114 = arith.index_cast %add3A_113 : i32 to index
      %get3A_115 = arith.constant 48 : index
      %get3A_116 = tpu.vector_load %arg10[%get3A_114, %get3A_115] {strides = array<i32>} : memref<128x64xi32, #tpu.memory_space<vmem>>, vector<1x16xi32>,
      %get3A_117 = vector.shape_cast %get3A_116 : vector<1x16xi32> to vector<16xi32>
      %swap3A_118 = arith.index_cast %scan3A_46 : i32 to index
      %swap3A_119 = arith.constant 80 : index
      %swap3A_120 = tpu.vector_load %arg11[%swap3A_118, %swap3A_119] {strides = array<i32>} : memref<64x128xi32, #tpu.memory_space<vmem>>, vector<1x16xi32>,
      %swap3A_121 = vector.shape_cast %swap3A_120 : vector<1x16xi32> to vector<16xi32>
      %swap3A_122 = vector.shape_cast %get3A_117 : vector<16xi32> to vector<1x16xi32>
      tpu.vector_store %arg11[%swap3A_118, %swap3A_119], %swap3A_122 {strides = array<i32>} : memref<64x128xi32, #tpu.memory_space<vmem>>, vector<1x16xi32>,
      %mul3A_123 = arith.constant 2 : i32
      %mul3A_124 = arith.muli %mul3A_123, %scan3A_46 : i32
      %add3A_125 = arith.constant 1 : i32
      %add3A_126 = arith.addi %mul3A_124, %add3A_125 : i32
      %get3A_127 = arith.index_cast %add3A_126 : i32 to index
      %get3A_128 = arith.constant 32 : index
      %get3A_129 = tpu.vector_load %arg10[%get3A_127, %get3A_128] {strides = array<i32>} : memref<128x64xi32, #tpu.memory_space<vmem>>, vector<1x16xi32>,
      %get3A_130 = vector.shape_cast %get3A_129 : vector<1x16xi32> to vector<16xi32>
      %swap3A_131 = arith.index_cast %scan3A_46 : i32 to index
      %swap3A_132 = arith.constant 96 : index
      %swap3A_133 = tpu.vector_load %arg11[%swap3A_131, %swap3A_132] {strides = array<i32>} : memref<64x128xi32, #tpu.memory_space<vmem>>, vector<1x16xi32>,
      %swap3A_134 = vector.shape_cast %swap3A_133 : vector<1x16xi32> to vector<16xi32>
      %swap3A_135 = vector.shape_cast %get3A_130 : vector<16xi32> to vector<1x16xi32>
      tpu.vector_store %arg11[%swap3A_131, %swap3A_132], %swap3A_135 {strides = array<i32>} : memref<64x128xi32, #tpu.memory_space<vmem>>, vector<1x16xi32>,
      %mul3A_136 = arith.constant 2 : i32
      %mul3A_137 = arith.muli %mul3A_136, %scan3A_46 : i32
      %add3A_138 = arith.constant 1 : i32
      %add3A_139 = arith.addi %mul3A_137, %add3A_138 : i32
      %get3A_140 = arith.index_cast %add3A_139 : i32 to index
      %get3A_141 = arith.constant 48 : index
      %get3A_142 = tpu.vector_load %arg10[%get3A_140, %get3A_141] {strides = array<i32>} : memref<128x64xi32, #tpu.memory_space<vmem>>, vector<1x16xi32>,
      %get3A_143 = vector.shape_cast %get3A_142 : vector<1x16xi32> to vector<16xi32>
      %swap3A_144 = arith.index_cast %scan3A_46 : i32 to index
      %swap3A_145 = arith.constant 112 : index
      %swap3A_146 = tpu.vector_load %arg11[%swap3A_144, %swap3A_145] {strides = array<i32>} : memref<64x128xi32, #tpu.memory_space<vmem>>, vector<1x16xi32>,
      %swap3A_147 = vector.shape_cast %swap3A_146 : vector<1x16xi32> to vector<16xi32>
      %swap3A_148 = vector.shape_cast %get3A_143 : vector<16xi32> to vector<1x16xi32>
      tpu.vector_store %arg11[%swap3A_144, %swap3A_145], %swap3A_148 {strides = array<i32>} : memref<64x128xi32, #tpu.memory_space<vmem>>, vector<1x16xi32>,
    }
    %scan3A_11 = arith.constant 64 : i32
    %scan3A_12 = arith.constant 0 : i32
    %scan3A_13 = arith.constant 0 : i32
    %scan3A_14 = arith.constant 8 : i32
    %scan3A_15 = arith.addi %scan3A_13, %scan3A_14 : i32
    %scan3A_16 = arith.constant 1 : i32
    scf.for %scan3A_46 = %scan3A_13 to %scan3A_15 step %scan3A_16  : i32 {
      %mul3A_47 = arith.constant 8 : i32
      %mul3A_48 = arith.muli %scan3A_46, %mul3A_47 : i32
      %dma_start3A_49 = arith.constant 0 : i32
      %dma_start3A_50 = tpu.memref_slice %arg11[%mul3A_48, %dma_start3A_49] : memref<64x128xi32, #tpu.memory_space<vmem>> -> memref<1x128xi32, #tpu.memory_space<vmem>>
      %dma_start3A_51 = tpu.memref_squeeze %dma_start3A_50 : memref<1x128xi32, #tpu.memory_space<vmem>> -> memref<128xi32, #tpu.memory_space<vmem>>
      %dma_start3A_52 = arith.constant 0 : i32
      %dma_start3A_53 = arith.constant 0 : i32
      %dma_start3A_54 = tpu.memref_slice %arg2[%dma_start3A_52, %dma_start3A_53] : memref<100000x64xf32, #tpu.memory_space<hbm>> -> memref<100000x64xf32, #tpu.memory_space<hbm>>
      tpu.enqueue_indirect_dma source(%dma_start3A_54 : memref<100000x64xf32, #tpu.memory_space<hbm>>) target(%arg12 : memref<128x64xf32, #tpu.memory_space<vmem>>) offsets(%dma_start3A_51 : memref<128xi32, #tpu.memory_space<vmem>>) semaphore(%arg18 : memref<!tpu.dma_semaphore, #tpu.memory_space<semaphore_mem>>)
      %add3A_55 = arith.constant 0 : i32
      %add3A_56 = arith.addi %mul3A_48, %add3A_55 : i32
      %add3A_57 = arith.constant 1 : i32
      %add3A_58 = arith.addi %add3A_56, %add3A_57 : i32
      %dma_start3A_59 = arith.constant 0 : i32
      %dma_start3A_60 = tpu.memref_slice %arg11[%add3A_58, %dma_start3A_59] : memref<64x128xi32, #tpu.memory_space<vmem>> -> memref<1x128xi32, #tpu.memory_space<vmem>>
      %dma_start3A_61 = tpu.memref_squeeze %dma_start3A_60 : memref<1x128xi32, #tpu.memory_space<vmem>> -> memref<128xi32, #tpu.memory_space<vmem>>
      %dma_start3A_62 = arith.constant 0 : i32
      %dma_start3A_63 = arith.constant 0 : i32
      %dma_start3A_64 = tpu.memref_slice %arg2[%dma_start3A_62, %dma_start3A_63] : memref<100000x64xf32, #tpu.memory_space<hbm>> -> memref<100000x64xf32, #tpu.memory_space<hbm>>
      tpu.enqueue_indirect_dma source(%dma_start3A_64 : memref<100000x64xf32, #tpu.memory_space<hbm>>) target(%arg13 : memref<128x64xf32, #tpu.memory_space<vmem>>) offsets(%dma_start3A_61 : memref<128xi32, #tpu.memory_space<vmem>>) semaphore(%arg19 : memref<!tpu.dma_semaphore, #tpu.memory_space<semaphore_mem>>)
      %dma_wait3A_65 = arith.constant 0 : i32
      %dma_wait3A_66 = tpu.memref_slice %arg11[%mul3A_48, %dma_wait3A_65] : memref<64x128xi32, #tpu.memory_space<vmem>> -> memref<1x128xi32, #tpu.memory_space<vmem>>
      %dma_wait3A_67 = tpu.memref_squeeze %dma_wait3A_66 : memref<1x128xi32, #tpu.memory_space<vmem>> -> memref<128xi32, #tpu.memory_space<vmem>>
      %dma_wait3A_68 = arith.constant 0 : i32
      %dma_wait3A_69 = arith.constant 0 : i32
      %dma_wait3A_70 = tpu.memref_slice %arg2[%dma_wait3A_68, %dma_wait3A_69] : memref<100000x64xf32, #tpu.memory_space<hbm>> -> memref<100000x64xf32, #tpu.memory_space<hbm>>
      tpu.wait_indirect_dma semaphore(%arg18 : memref<!tpu.dma_semaphore, #tpu.memory_space<semaphore_mem>>) src(%dma_wait3A_70 : memref<100000x64xf32, #tpu.memory_space<hbm>>) dst(%arg12 : memref<128x64xf32, #tpu.memory_space<vmem>>)
      %add3A_71 = arith.constant 0 : i32
      %add3A_72 = arith.addi %mul3A_48, %add3A_71 : i32
      %mul3A_73 = arith.constant 64 : i32
      %mul3A_74 = arith.muli %add3A_72, %mul3A_73 : i32
      %add3A_75 = arith.addi %mul3A_6, %mul3A_74 : i32
      %dma_start3A_76 = arith.constant 0 : i32
      %dma_start3A_77 = arith.constant 0 : i32
      %dma_start3A_78 = tpu.memref_slice %arg12[%dma_start3A_76, %dma_start3A_77] : memref<128x64xf32, #tpu.memory_space<vmem>> -> memref<64x64xf32, #tpu.memory_space<vmem>>
      %dma_start3A_79 = arith.constant 0 : i32
      %dma_start3A_80 = tpu.memref_slice %arg7[%add3A_75, %dma_start3A_79] : memref<131072x128xf32, #tpu.memory_space<hbm>> -> memref<64x64xf32, #tpu.memory_space<hbm>>
      %dma_start3A_81 = arith.constant 0 : i32
      %dma_start3A_82 = tpu.memref_slice %arg7[%add3A_75, %dma_start3A_81] : memref<131072x128xf32, #tpu.memory_space<hbm>> -> memref<64x64xf32, #tpu.memory_space<hbm>>
      %dma_start3A_83 = arith.constant 0 : i32
      %dma_start3A_84 = arith.constant 0 : i32
      %dma_start3A_85 = tpu.memref_slice %arg12[%dma_start3A_83, %dma_start3A_84] : memref<128x64xf32, #tpu.memory_space<vmem>> -> memref<64x64xf32, #tpu.memory_space<vmem>>
      tpu.enqueue_dma source(%dma_start3A_85 : memref<64x64xf32, #tpu.memory_space<vmem>>) target(%dma_start3A_82 : memref<64x64xf32, #tpu.memory_space<hbm>>) target_semaphore(%arg20 : memref<!tpu.dma_semaphore, #tpu.memory_space<semaphore_mem>>)
      %dma_start3A_86 = arith.constant 64 : i32
      %dma_start3A_87 = arith.constant 0 : i32
      %dma_start3A_88 = tpu.memref_slice %arg12[%dma_start3A_86, %dma_start3A_87] : memref<128x64xf32, #tpu.memory_space<vmem>> -> memref<64x64xf32, #tpu.memory_space<vmem>>
      %dma_start3A_89 = arith.constant 64 : i32
      %dma_start3A_90 = tpu.memref_slice %arg7[%add3A_75, %dma_start3A_89] : memref<131072x128xf32, #tpu.memory_space<hbm>> -> memref<64x64xf32, #tpu.memory_space<hbm>>
      %dma_start3A_91 = arith.constant 64 : i32
      %dma_start3A_92 = tpu.memref_slice %arg7[%add3A_75, %dma_start3A_91] : memref<131072x128xf32, #tpu.memory_space<hbm>> -> memref<64x64xf32, #tpu.memory_space<hbm>>
      %dma_start3A_93 = arith.constant 64 : i32
      %dma_start3A_94 = arith.constant 0 : i32
      %dma_start3A_95 = tpu.memref_slice %arg12[%dma_start3A_93, %dma_start3A_94] : memref<128x64xf32, #tpu.memory_space<vmem>> -> memref<64x64xf32, #tpu.memory_space<vmem>>
      tpu.enqueue_dma source(%dma_start3A_95 : memref<64x64xf32, #tpu.memory_space<vmem>>) target(%dma_start3A_92 : memref<64x64xf32, #tpu.memory_space<hbm>>) target_semaphore(%arg20 : memref<!tpu.dma_semaphore, #tpu.memory_space<semaphore_mem>>)
      %add3A_96 = arith.constant 1 : i32
      %add3A_97 = arith.addi %mul3A_48, %add3A_96 : i32
      %add3A_98 = arith.constant 1 : i32
      %add3A_99 = arith.addi %add3A_97, %add3A_98 : i32
      %dma_start3A_100 = arith.constant 0 : i32
      %dma_start3A_101 = tpu.memref_slice %arg11[%add3A_99, %dma_start3A_100] : memref<64x128xi32, #tpu.memory_space<vmem>> -> memref<1x128xi32, #tpu.memory_space<vmem>>
      %dma_start3A_102 = tpu.memref_squeeze %dma_start3A_101 : memref<1x128xi32, #tpu.memory_space<vmem>> -> memref<128xi32, #tpu.memory_space<vmem>>
      %dma_start3A_103 = arith.constant 0 : i32
      %dma_start3A_104 = arith.constant 0 : i32
      %dma_start3A_105 = tpu.memref_slice %arg2[%dma_start3A_103, %dma_start3A_104] : memref<100000x64xf32, #tpu.memory_space<hbm>> -> memref<100000x64xf32, #tpu.memory_space<hbm>>
      tpu.enqueue_indirect_dma source(%dma_start3A_105 : memref<100000x64xf32, #tpu.memory_space<hbm>>) target(%arg14 : memref<128x64xf32, #tpu.memory_space<vmem>>) offsets(%dma_start3A_102 : memref<128xi32, #tpu.memory_space<vmem>>) semaphore(%arg18 : memref<!tpu.dma_semaphore, #tpu.memory_space<semaphore_mem>>)
      %dma_wait3A_106 = arith.constant 0 : i32
      %dma_wait3A_107 = tpu.memref_slice %arg11[%add3A_58, %dma_wait3A_106] : memref<64x128xi32, #tpu.memory_space<vmem>> -> memref<1x128xi32, #tpu.memory_space<vmem>>
      %dma_wait3A_108 = tpu.memref_squeeze %dma_wait3A_107 : memref<1x128xi32, #tpu.memory_space<vmem>> -> memref<128xi32, #tpu.memory_space<vmem>>
      %dma_wait3A_109 = arith.constant 0 : i32
      %dma_wait3A_110 = arith.constant 0 : i32
      %dma_wait3A_111 = tpu.memref_slice %arg2[%dma_wait3A_109, %dma_wait3A_110] : memref<100000x64xf32, #tpu.memory_space<hbm>> -> memref<100000x64xf32, #tpu.memory_space<hbm>>
      tpu.wait_indirect_dma semaphore(%arg19 : memref<!tpu.dma_semaphore, #tpu.memory_space<semaphore_mem>>) src(%dma_wait3A_111 : memref<100000x64xf32, #tpu.memory_space<hbm>>) dst(%arg13 : memref<128x64xf32, #tpu.memory_space<vmem>>)
      %add3A_112 = arith.constant 1 : i32
      %add3A_113 = arith.addi %mul3A_48, %add3A_112 : i32
      %mul3A_114 = arith.constant 64 : i32
      %mul3A_115 = arith.muli %add3A_113, %mul3A_114 : i32
      %add3A_116 = arith.addi %mul3A_6, %mul3A_115 : i32
      %dma_start3A_117 = arith.constant 0 : i32
      %dma_start3A_118 = arith.constant 0 : i32
      %dma_start3A_119 = tpu.memref_slice %arg13[%dma_start3A_117, %dma_start3A_118] : memref<128x64xf32, #tpu.memory_space<vmem>> -> memref<64x64xf32, #tpu.memory_space<vmem>>
      %dma_start3A_120 = arith.constant 0 : i32
      %dma_start3A_121 = tpu.memref_slice %arg7[%add3A_116, %dma_start3A_120] : memref<131072x128xf32, #tpu.memory_space<hbm>> -> memref<64x64xf32, #tpu.memory_space<hbm>>
      %dma_start3A_122 = arith.constant 0 : i32
      %dma_start3A_123 = tpu.memref_slice %arg7[%add3A_116, %dma_start3A_122] : memref<131072x128xf32, #tpu.memory_space<hbm>> -> memref<64x64xf32, #tpu.memory_space<hbm>>
      %dma_start3A_124 = arith.constant 0 : i32
      %dma_start3A_125 = arith.constant 0 : i32
      %dma_start3A_126 = tpu.memref_slice %arg13[%dma_start3A_124, %dma_start3A_125] : memref<128x64xf32, #tpu.memory_space<vmem>> -> memref<64x64xf32, #tpu.memory_space<vmem>>
      tpu.enqueue_dma source(%dma_start3A_126 : memref<64x64xf32, #tpu.memory_space<vmem>>) target(%dma_start3A_123 : memref<64x64xf32, #tpu.memory_space<hbm>>) target_semaphore(%arg21 : memref<!tpu.dma_semaphore, #tpu.memory_space<semaphore_mem>>)
      %dma_start3A_127 = arith.constant 64 : i32
      %dma_start3A_128 = arith.constant 0 : i32
      %dma_start3A_129 = tpu.memref_slice %arg13[%dma_start3A_127, %dma_start3A_128] : memref<128x64xf32, #tpu.memory_space<vmem>> -> memref<64x64xf32, #tpu.memory_space<vmem>>
      %dma_start3A_130 = arith.constant 64 : i32
      %dma_start3A_131 = tpu.memref_slice %arg7[%add3A_116, %dma_start3A_130] : memref<131072x128xf32, #tpu.memory_space<hbm>> -> memref<64x64xf32, #tpu.memory_space<hbm>>
      %dma_start3A_132 = arith.constant 64 : i32
      %dma_start3A_133 = tpu.memref_slice %arg7[%add3A_116, %dma_start3A_132] : memref<131072x128xf32, #tpu.memory_space<hbm>> -> memref<64x64xf32, #tpu.memory_space<hbm>>
      %dma_start3A_134 = arith.constant 64 : i32
      %dma_start3A_135 = arith.constant 0 : i32
      %dma_start3A_136 = tpu.memref_slice %arg13[%dma_start3A_134, %dma_start3A_135] : memref<128x64xf32, #tpu.memory_space<vmem>> -> memref<64x64xf32, #tpu.memory_space<vmem>>
      tpu.enqueue_dma source(%dma_start3A_136 : memref<64x64xf32, #tpu.memory_space<vmem>>) target(%dma_start3A_133 : memref<64x64xf32, #tpu.memory_space<hbm>>) target_semaphore(%arg21 : memref<!tpu.dma_semaphore, #tpu.memory_space<semaphore_mem>>)
      %add3A_137 = arith.constant 2 : i32
      %add3A_138 = arith.addi %mul3A_48, %add3A_137 : i32
      %add3A_139 = arith.constant 1 : i32
      %add3A_140 = arith.addi %add3A_138, %add3A_139 : i32
      %dma_start3A_141 = arith.constant 0 : i32
      %dma_start3A_142 = tpu.memref_slice %arg11[%add3A_140, %dma_start3A_141] : memref<64x128xi32, #tpu.memory_space<vmem>> -> memref<1x128xi32, #tpu.memory_space<vmem>>
      %dma_start3A_143 = tpu.memref_squeeze %dma_start3A_142 : memref<1x128xi32, #tpu.memory_space<vmem>> -> memref<128xi32, #tpu.memory_space<vmem>>
      %dma_start3A_144 = arith.constant 0 : i32
      %dma_start3A_145 = arith.constant 0 : i32
      %dma_start3A_146 = tpu.memref_slice %arg2[%dma_start3A_144, %dma_start3A_145] : memref<100000x64xf32, #tpu.memory_space<hbm>> -> memref<100000x64xf32, #tpu.memory_space<hbm>>
      tpu.enqueue_indirect_dma source(%dma_start3A_146 : memref<100000x64xf32, #tpu.memory_space<hbm>>) target(%arg15 : memref<128x64xf32, #tpu.memory_space<vmem>>) offsets(%dma_start3A_143 : memref<128xi32, #tpu.memory_space<vmem>>) semaphore(%arg19 : memref<!tpu.dma_semaphore, #tpu.memory_space<semaphore_mem>>)
      %dma_wait3A_147 = arith.constant 0 : i32
      %dma_wait3A_148 = tpu.memref_slice %arg11[%add3A_99, %dma_wait3A_147] : memref<64x128xi32, #tpu.memory_space<vmem>> -> memref<1x128xi32, #tpu.memory_space<vmem>>
      %dma_wait3A_149 = tpu.memref_squeeze %dma_wait3A_148 : memref<1x128xi32, #tpu.memory_space<vmem>> -> memref<128xi32, #tpu.memory_space<vmem>>
      %dma_wait3A_150 = arith.constant 0 : i32
      %dma_wait3A_151 = arith.constant 0 : i32
      %dma_wait3A_152 = tpu.memref_slice %arg2[%dma_wait3A_150, %dma_wait3A_151] : memref<100000x64xf32, #tpu.memory_space<hbm>> -> memref<100000x64xf32, #tpu.memory_space<hbm>>
      tpu.wait_indirect_dma semaphore(%arg18 : memref<!tpu.dma_semaphore, #tpu.memory_space<semaphore_mem>>) src(%dma_wait3A_152 : memref<100000x64xf32, #tpu.memory_space<hbm>>) dst(%arg14 : memref<128x64xf32, #tpu.memory_space<vmem>>)
      %add3A_153 = arith.constant 2 : i32
      %add3A_154 = arith.addi %mul3A_48, %add3A_153 : i32
      %mul3A_155 = arith.constant 64 : i32
      %mul3A_156 = arith.muli %add3A_154, %mul3A_155 : i32
      %add3A_157 = arith.addi %mul3A_6, %mul3A_156 : i32
      %dma_start3A_158 = arith.constant 0 : i32
      %dma_start3A_159 = arith.constant 0 : i32
      %dma_start3A_160 = tpu.memref_slice %arg14[%dma_start3A_158, %dma_start3A_159] : memref<128x64xf32, #tpu.memory_space<vmem>> -> memref<64x64xf32, #tpu.memory_space<vmem>>
      %dma_start3A_161 = arith.constant 0 : i32
      %dma_start3A_162 = tpu.memref_slice %arg7[%add3A_157, %dma_start3A_161] : memref<131072x128xf32, #tpu.memory_space<hbm>> -> memref<64x64xf32, #tpu.memory_space<hbm>>
      %dma_start3A_163 = arith.constant 0 : i32
      %dma_start3A_164 = tpu.memref_slice %arg7[%add3A_157, %dma_start3A_163] : memref<131072x128xf32, #tpu.memory_space<hbm>> -> memref<64x64xf32, #tpu.memory_space<hbm>>
      %dma_start3A_165 = arith.constant 0 : i32
      %dma_start3A_166 = arith.constant 0 : i32
      %dma_start3A_167 = tpu.memref_slice %arg14[%dma_start3A_165, %dma_start3A_166] : memref<128x64xf32, #tpu.memory_space<vmem>> -> memref<64x64xf32, #tpu.memory_space<vmem>>
      tpu.enqueue_dma source(%dma_start3A_167 : memref<64x64xf32, #tpu.memory_space<vmem>>) target(%dma_start3A_164 : memref<64x64xf32, #tpu.memory_space<hbm>>) target_semaphore(%arg22 : memref<!tpu.dma_semaphore, #tpu.memory_space<semaphore_mem>>)
      %dma_start3A_168 = arith.constant 64 : i32
      %dma_start3A_169 = arith.constant 0 : i32
      %dma_start3A_170 = tpu.memref_slice %arg14[%dma_start3A_168, %dma_start3A_169] : memref<128x64xf32, #tpu.memory_space<vmem>> -> memref<64x64xf32, #tpu.memory_space<vmem>>
      %dma_start3A_171 = arith.constant 64 : i32
      %dma_start3A_172 = tpu.memref_slice %arg7[%add3A_157, %dma_start3A_171] : memref<131072x128xf32, #tpu.memory_space<hbm>> -> memref<64x64xf32, #tpu.memory_space<hbm>>
      %dma_start3A_173 = arith.constant 64 : i32
      %dma_start3A_174 = tpu.memref_slice %arg7[%add3A_157, %dma_start3A_173] : memref<131072x128xf32, #tpu.memory_space<hbm>> -> memref<64x64xf32, #tpu.memory_space<hbm>>
      %dma_start3A_175 = arith.constant 64 : i32
      %dma_start3A_176 = arith.constant 0 : i32
      %dma_start3A_177 = tpu.memref_slice %arg14[%dma_start3A_175, %dma_start3A_176] : memref<128x64xf32, #tpu.memory_space<vmem>> -> memref<64x64xf32, #tpu.memory_space<vmem>>
      tpu.enqueue_dma source(%dma_start3A_177 : memref<64x64xf32, #tpu.memory_space<vmem>>) target(%dma_start3A_174 : memref<64x64xf32, #tpu.memory_space<hbm>>) target_semaphore(%arg22 : memref<!tpu.dma_semaphore, #tpu.memory_space<semaphore_mem>>)
      %dma_wait3A_178 = arith.constant 0 : i32
      %dma_wait3A_179 = arith.constant 0 : i32
      %dma_wait3A_180 = tpu.memref_slice %arg12[%dma_wait3A_178, %dma_wait3A_179] : memref<128x64xf32, #tpu.memory_space<vmem>> -> memref<64x64xf32, #tpu.memory_space<vmem>>
      %dma_wait3A_181 = arith.constant 0 : i32
      %dma_wait3A_182 = tpu.memref_slice %arg7[%add3A_75, %dma_wait3A_181] : memref<131072x128xf32, #tpu.memory_space<hbm>> -> memref<64x64xf32, #tpu.memory_space<hbm>>
      %dma_wait3A_183 = arith.constant 0 : i32
      %dma_wait3A_184 = tpu.memref_slice %arg7[%add3A_75, %dma_wait3A_183] : memref<131072x128xf32, #tpu.memory_space<hbm>> -> memref<64x64xf32, #tpu.memory_space<hbm>>
      %dma_wait3A_185 = arith.constant 0 : i32
      %dma_wait3A_186 = arith.constant 0 : i32
      %dma_wait3A_187 = tpu.memref_slice %arg12[%dma_wait3A_185, %dma_wait3A_186] : memref<128x64xf32, #tpu.memory_space<vmem>> -> memref<64x64xf32, #tpu.memory_space<vmem>>
      tpu.wait_dma2 semaphore(%arg20 : memref<!tpu.dma_semaphore, #tpu.memory_space<semaphore_mem>>) src(%dma_wait3A_187 : memref<64x64xf32, #tpu.memory_space<vmem>>) dst(%dma_wait3A_184 : memref<64x64xf32, #tpu.memory_space<hbm>>)
      %dma_wait3A_188 = arith.constant 64 : i32
      %dma_wait3A_189 = arith.constant 0 : i32
      %dma_wait3A_190 = tpu.memref_slice %arg12[%dma_wait3A_188, %dma_wait3A_189] : memref<128x64xf32, #tpu.memory_space<vmem>> -> memref<64x64xf32, #tpu.memory_space<vmem>>
      %dma_wait3A_191 = arith.constant 64 : i32
      %dma_wait3A_192 = tpu.memref_slice %arg7[%add3A_75, %dma_wait3A_191] : memref<131072x128xf32, #tpu.memory_space<hbm>> -> memref<64x64xf32, #tpu.memory_space<hbm>>
      %dma_wait3A_193 = arith.constant 64 : i32
      %dma_wait3A_194 = tpu.memref_slice %arg7[%add3A_75, %dma_wait3A_193] : memref<131072x128xf32, #tpu.memory_space<hbm>> -> memref<64x64xf32, #tpu.memory_space<hbm>>
      %dma_wait3A_195 = arith.constant 64 : i32
      %dma_wait3A_196 = arith.constant 0 : i32
      %dma_wait3A_197 = tpu.memref_slice %arg12[%dma_wait3A_195, %dma_wait3A_196] : memref<128x64xf32, #tpu.memory_space<vmem>> -> memref<64x64xf32, #tpu.memory_space<vmem>>
      tpu.wait_dma2 semaphore(%arg20 : memref<!tpu.dma_semaphore, #tpu.memory_space<semaphore_mem>>) src(%dma_wait3A_197 : memref<64x64xf32, #tpu.memory_space<vmem>>) dst(%dma_wait3A_194 : memref<64x64xf32, #tpu.memory_space<hbm>>)
      %add3A_198 = arith.constant 3 : i32
      %add3A_199 = arith.addi %mul3A_48, %add3A_198 : i32
      %add3A_200 = arith.constant 1 : i32
      %add3A_201 = arith.addi %add3A_199, %add3A_200 : i32
      %dma_start3A_202 = arith.constant 0 : i32
      %dma_start3A_203 = tpu.memref_slice %arg11[%add3A_201, %dma_start3A_202] : memref<64x128xi32, #tpu.memory_space<vmem>> -> memref<1x128xi32, #tpu.memory_space<vmem>>
      %dma_start3A_204 = tpu.memref_squeeze %dma_start3A_203 : memref<1x128xi32, #tpu.memory_space<vmem>> -> memref<128xi32, #tpu.memory_space<vmem>>
      %dma_start3A_205 = arith.constant 0 : i32
      %dma_start3A_206 = arith.constant 0 : i32
      %dma_start3A_207 = tpu.memref_slice %arg2[%dma_start3A_205, %dma_start3A_206] : memref<100000x64xf32, #tpu.memory_space<hbm>> -> memref<100000x64xf32, #tpu.memory_space<hbm>>
      tpu.enqueue_indirect_dma source(%dma_start3A_207 : memref<100000x64xf32, #tpu.memory_space<hbm>>) target(%arg12 : memref<128x64xf32, #tpu.memory_space<vmem>>) offsets(%dma_start3A_204 : memref<128xi32, #tpu.memory_space<vmem>>) semaphore(%arg18 : memref<!tpu.dma_semaphore, #tpu.memory_space<semaphore_mem>>)
      %dma_wait3A_208 = arith.constant 0 : i32
      %dma_wait3A_209 = tpu.memref_slice %arg11[%add3A_140, %dma_wait3A_208] : memref<64x128xi32, #tpu.memory_space<vmem>> -> memref<1x128xi32, #tpu.memory_space<vmem>>
      %dma_wait3A_210 = tpu.memref_squeeze %dma_wait3A_209 : memref<1x128xi32, #tpu.memory_space<vmem>> -> memref<128xi32, #tpu.memory_space<vmem>>
      %dma_wait3A_211 = arith.constant 0 : i32
      %dma_wait3A_212 = arith.constant 0 : i32
      %dma_wait3A_213 = tpu.memref_slice %arg2[%dma_wait3A_211, %dma_wait3A_212] : memref<100000x64xf32, #tpu.memory_space<hbm>> -> memref<100000x64xf32, #tpu.memory_space<hbm>>
      tpu.wait_indirect_dma semaphore(%arg19 : memref<!tpu.dma_semaphore, #tpu.memory_space<semaphore_mem>>) src(%dma_wait3A_213 : memref<100000x64xf32, #tpu.memory_space<hbm>>) dst(%arg15 : memref<128x64xf32, #tpu.memory_space<vmem>>)
      %add3A_214 = arith.constant 3 : i32
      %add3A_215 = arith.addi %mul3A_48, %add3A_214 : i32
      %mul3A_216 = arith.constant 64 : i32
      %mul3A_217 = arith.muli %add3A_215, %mul3A_216 : i32
      %add3A_218 = arith.addi %mul3A_6, %mul3A_217 : i32
      %dma_start3A_219 = arith.constant 0 : i32
      %dma_start3A_220 = arith.constant 0 : i32
      %dma_start3A_221 = tpu.memref_slice %arg15[%dma_start3A_219, %dma_start3A_220] : memref<128x64xf32, #tpu.memory_space<vmem>> -> memref<64x64xf32, #tpu.memory_space<vmem>>
      %dma_start3A_222 = arith.constant 0 : i32
      %dma_start3A_223 = tpu.memref_slice %arg7[%add3A_218, %dma_start3A_222] : memref<131072x128xf32, #tpu.memory_space<hbm>> -> memref<64x64xf32, #tpu.memory_space<hbm>>
      %dma_start3A_224 = arith.constant 0 : i32
      %dma_start3A_225 = tpu.memref_slice %arg7[%add3A_218, %dma_start3A_224] : memref<131072x128xf32, #tpu.memory_space<hbm>> -> memref<64x64xf32, #tpu.memory_space<hbm>>
      %dma_start3A_226 = arith.constant 0 : i32
      %dma_start3A_227 = arith.constant 0 : i32
      %dma_start3A_228 = tpu.memref_slice %arg15[%dma_start3A_226, %dma_start3A_227] : memref<128x64xf32, #tpu.memory_space<vmem>> -> memref<64x64xf32, #tpu.memory_space<vmem>>
      tpu.enqueue_dma source(%dma_start3A_228 : memref<64x64xf32, #tpu.memory_space<vmem>>) target(%dma_start3A_225 : memref<64x64xf32, #tpu.memory_space<hbm>>) target_semaphore(%arg23 : memref<!tpu.dma_semaphore, #tpu.memory_space<semaphore_mem>>)
      %dma_start3A_229 = arith.constant 64 : i32
      %dma_start3A_230 = arith.constant 0 : i32
      %dma_start3A_231 = tpu.memref_slice %arg15[%dma_start3A_229, %dma_start3A_230] : memref<128x64xf32, #tpu.memory_space<vmem>> -> memref<64x64xf32, #tpu.memory_space<vmem>>
      %dma_start3A_232 = arith.constant 64 : i32
      %dma_start3A_233 = tpu.memref_slice %arg7[%add3A_218, %dma_start3A_232] : memref<131072x128xf32, #tpu.memory_space<hbm>> -> memref<64x64xf32, #tpu.memory_space<hbm>>
      %dma_start3A_234 = arith.constant 64 : i32
      %dma_start3A_235 = tpu.memref_slice %arg7[%add3A_218, %dma_start3A_234] : memref<131072x128xf32, #tpu.memory_space<hbm>> -> memref<64x64xf32, #tpu.memory_space<hbm>>
      %dma_start3A_236 = arith.constant 64 : i32
      %dma_start3A_237 = arith.constant 0 : i32
      %dma_start3A_238 = tpu.memref_slice %arg15[%dma_start3A_236, %dma_start3A_237] : memref<128x64xf32, #tpu.memory_space<vmem>> -> memref<64x64xf32, #tpu.memory_space<vmem>>
      tpu.enqueue_dma source(%dma_start3A_238 : memref<64x64xf32, #tpu.memory_space<vmem>>) target(%dma_start3A_235 : memref<64x64xf32, #tpu.memory_space<hbm>>) target_semaphore(%arg23 : memref<!tpu.dma_semaphore, #tpu.memory_space<semaphore_mem>>)
      %dma_wait3A_239 = arith.constant 0 : i32
      %dma_wait3A_240 = arith.constant 0 : i32
      %dma_wait3A_241 = tpu.memref_slice %arg13[%dma_wait3A_239, %dma_wait3A_240] : memref<128x64xf32, #tpu.memory_space<vmem>> -> memref<64x64xf32, #tpu.memory_space<vmem>>
      %dma_wait3A_242 = arith.constant 0 : i32
      %dma_wait3A_243 = tpu.memref_slice %arg7[%add3A_116, %dma_wait3A_242] : memref<131072x128xf32, #tpu.memory_space<hbm>> -> memref<64x64xf32, #tpu.memory_space<hbm>>
      %dma_wait3A_244 = arith.constant 0 : i32
      %dma_wait3A_245 = tpu.memref_slice %arg7[%add3A_116, %dma_wait3A_244] : memref<131072x128xf32, #tpu.memory_space<hbm>> -> memref<64x64xf32, #tpu.memory_space<hbm>>
      %dma_wait3A_246 = arith.constant 0 : i32
      %dma_wait3A_247 = arith.constant 0 : i32
      %dma_wait3A_248 = tpu.memref_slice %arg13[%dma_wait3A_246, %dma_wait3A_247] : memref<128x64xf32, #tpu.memory_space<vmem>> -> memref<64x64xf32, #tpu.memory_space<vmem>>
      tpu.wait_dma2 semaphore(%arg21 : memref<!tpu.dma_semaphore, #tpu.memory_space<semaphore_mem>>) src(%dma_wait3A_248 : memref<64x64xf32, #tpu.memory_space<vmem>>) dst(%dma_wait3A_245 : memref<64x64xf32, #tpu.memory_space<hbm>>)
      %dma_wait3A_249 = arith.constant 64 : i32
      %dma_wait3A_250 = arith.constant 0 : i32
      %dma_wait3A_251 = tpu.memref_slice %arg13[%dma_wait3A_249, %dma_wait3A_250] : memref<128x64xf32, #tpu.memory_space<vmem>> -> memref<64x64xf32, #tpu.memory_space<vmem>>
      %dma_wait3A_252 = arith.constant 64 : i32
      %dma_wait3A_253 = tpu.memref_slice %arg7[%add3A_116, %dma_wait3A_252] : memref<131072x128xf32, #tpu.memory_space<hbm>> -> memref<64x64xf32, #tpu.memory_space<hbm>>
      %dma_wait3A_254 = arith.constant 64 : i32
      %dma_wait3A_255 = tpu.memref_slice %arg7[%add3A_116, %dma_wait3A_254] : memref<131072x128xf32, #tpu.memory_space<hbm>> -> memref<64x64xf32, #tpu.memory_space<hbm>>
      %dma_wait3A_256 = arith.constant 64 : i32
      %dma_wait3A_257 = arith.constant 0 : i32
      %dma_wait3A_258 = tpu.memref_slice %arg13[%dma_wait3A_256, %dma_wait3A_257] : memref<128x64xf32, #tpu.memory_space<vmem>> -> memref<64x64xf32, #tpu.memory_space<vmem>>
      tpu.wait_dma2 semaphore(%arg21 : memref<!tpu.dma_semaphore, #tpu.memory_space<semaphore_mem>>) src(%dma_wait3A_258 : memref<64x64xf32, #tpu.memory_space<vmem>>) dst(%dma_wait3A_255 : memref<64x64xf32, #tpu.memory_space<hbm>>)
      %add3A_259 = arith.constant 4 : i32
      %add3A_260 = arith.addi %mul3A_48, %add3A_259 : i32
      %add3A_261 = arith.constant 1 : i32
      %add3A_262 = arith.addi %add3A_260, %add3A_261 : i32
      %dma_start3A_263 = arith.constant 0 : i32
      %dma_start3A_264 = tpu.memref_slice %arg11[%add3A_262, %dma_start3A_263] : memref<64x128xi32, #tpu.memory_space<vmem>> -> memref<1x128xi32, #tpu.memory_space<vmem>>
      %dma_start3A_265 = tpu.memref_squeeze %dma_start3A_264 : memref<1x128xi32, #tpu.memory_space<vmem>> -> memref<128xi32, #tpu.memory_space<vmem>>
      %dma_start3A_266 = arith.constant 0 : i32
      %dma_start3A_267 = arith.constant 0 : i32
      %dma_start3A_268 = tpu.memref_slice %arg2[%dma_start3A_266, %dma_start3A_267] : memref<100000x64xf32, #tpu.memory_space<hbm>> -> memref<100000x64xf32, #tpu.memory_space<hbm>>
      tpu.enqueue_indirect_dma source(%dma_start3A_268 : memref<100000x64xf32, #tpu.memory_space<hbm>>) target(%arg13 : memref<128x64xf32, #tpu.memory_space<vmem>>) offsets(%dma_start3A_265 : memref<128xi32, #tpu.memory_space<vmem>>) semaphore(%arg19 : memref<!tpu.dma_semaphore, #tpu.memory_space<semaphore_mem>>)
      %dma_wait3A_269 = arith.constant 0 : i32
      %dma_wait3A_270 = tpu.memref_slice %arg11[%add3A_201, %dma_wait3A_269] : memref<64x128xi32, #tpu.memory_space<vmem>> -> memref<1x128xi32, #tpu.memory_space<vmem>>
      %dma_wait3A_271 = tpu.memref_squeeze %dma_wait3A_270 : memref<1x128xi32, #tpu.memory_space<vmem>> -> memref<128xi32, #tpu.memory_space<vmem>>
      %dma_wait3A_272 = arith.constant 0 : i32
      %dma_wait3A_273 = arith.constant 0 : i32
      %dma_wait3A_274 = tpu.memref_slice %arg2[%dma_wait3A_272, %dma_wait3A_273] : memref<100000x64xf32, #tpu.memory_space<hbm>> -> memref<100000x64xf32, #tpu.memory_space<hbm>>
      tpu.wait_indirect_dma semaphore(%arg18 : memref<!tpu.dma_semaphore, #tpu.memory_space<semaphore_mem>>) src(%dma_wait3A_274 : memref<100000x64xf32, #tpu.memory_space<hbm>>) dst(%arg12 : memref<128x64xf32, #tpu.memory_space<vmem>>)
      %add3A_275 = arith.constant 4 : i32
      %add3A_276 = arith.addi %mul3A_48, %add3A_275 : i32
      %mul3A_277 = arith.constant 64 : i32
      %mul3A_278 = arith.muli %add3A_276, %mul3A_277 : i32
      %add3A_279 = arith.addi %mul3A_6, %mul3A_278 : i32
      %dma_start3A_280 = arith.constant 0 : i32
      %dma_start3A_281 = arith.constant 0 : i32
      %dma_start3A_282 = tpu.memref_slice %arg12[%dma_start3A_280, %dma_start3A_281] : memref<128x64xf32, #tpu.memory_space<vmem>> -> memref<64x64xf32, #tpu.memory_space<vmem>>
      %dma_start3A_283 = arith.constant 0 : i32
      %dma_start3A_284 = tpu.memref_slice %arg7[%add3A_279, %dma_start3A_283] : memref<131072x128xf32, #tpu.memory_space<hbm>> -> memref<64x64xf32, #tpu.memory_space<hbm>>
      %dma_start3A_285 = arith.constant 0 : i32
      %dma_start3A_286 = tpu.memref_slice %arg7[%add3A_279, %dma_start3A_285] : memref<131072x128xf32, #tpu.memory_space<hbm>> -> memref<64x64xf32, #tpu.memory_space<hbm>>
      %dma_start3A_287 = arith.constant 0 : i32
      %dma_start3A_288 = arith.constant 0 : i32
      %dma_start3A_289 = tpu.memref_slice %arg12[%dma_start3A_287, %dma_start3A_288] : memref<128x64xf32, #tpu.memory_space<vmem>> -> memref<64x64xf32, #tpu.memory_space<vmem>>
      tpu.enqueue_dma source(%dma_start3A_289 : memref<64x64xf32, #tpu.memory_space<vmem>>) target(%dma_start3A_286 : memref<64x64xf32, #tpu.memory_space<hbm>>) target_semaphore(%arg20 : memref<!tpu.dma_semaphore, #tpu.memory_space<semaphore_mem>>)
      %dma_start3A_290 = arith.constant 64 : i32
      %dma_start3A_291 = arith.constant 0 : i32
      %dma_start3A_292 = tpu.memref_slice %arg12[%dma_start3A_290, %dma_start3A_291] : memref<128x64xf32, #tpu.memory_space<vmem>> -> memref<64x64xf32, #tpu.memory_space<vmem>>
      %dma_start3A_293 = arith.constant 64 : i32
      %dma_start3A_294 = tpu.memref_slice %arg7[%add3A_279, %dma_start3A_293] : memref<131072x128xf32, #tpu.memory_space<hbm>> -> memref<64x64xf32, #tpu.memory_space<hbm>>
      %dma_start3A_295 = arith.constant 64 : i32
      %dma_start3A_296 = tpu.memref_slice %arg7[%add3A_279, %dma_start3A_295] : memref<131072x128xf32, #tpu.memory_space<hbm>> -> memref<64x64xf32, #tpu.memory_space<hbm>>
      %dma_start3A_297 = arith.constant 64 : i32
      %dma_start3A_298 = arith.constant 0 : i32
      %dma_start3A_299 = tpu.memref_slice %arg12[%dma_start3A_297, %dma_start3A_298] : memref<128x64xf32, #tpu.memory_space<vmem>> -> memref<64x64xf32, #tpu.memory_space<vmem>>
      tpu.enqueue_dma source(%dma_start3A_299 : memref<64x64xf32, #tpu.memory_space<vmem>>) target(%dma_start3A_296 : memref<64x64xf32, #tpu.memory_space<hbm>>) target_semaphore(%arg20 : memref<!tpu.dma_semaphore, #tpu.memory_space<semaphore_mem>>)
      %dma_wait3A_300 = arith.constant 0 : i32
      %dma_wait3A_301 = arith.constant 0 : i32
      %dma_wait3A_302 = tpu.memref_slice %arg14[%dma_wait3A_300, %dma_wait3A_301] : memref<128x64xf32, #tpu.memory_space<vmem>> -> memref<64x64xf32, #tpu.memory_space<vmem>>
      %dma_wait3A_303 = arith.constant 0 : i32
      %dma_wait3A_304 = tpu.memref_slice %arg7[%add3A_157, %dma_wait3A_303] : memref<131072x128xf32, #tpu.memory_space<hbm>> -> memref<64x64xf32, #tpu.memory_space<hbm>>
      %dma_wait3A_305 = arith.constant 0 : i32
      %dma_wait3A_306 = tpu.memref_slice %arg7[%add3A_157, %dma_wait3A_305] : memref<131072x128xf32, #tpu.memory_space<hbm>> -> memref<64x64xf32, #tpu.memory_space<hbm>>
      %dma_wait3A_307 = arith.constant 0 : i32
      %dma_wait3A_308 = arith.constant 0 : i32
      %dma_wait3A_309 = tpu.memref_slice %arg14[%dma_wait3A_307, %dma_wait3A_308] : memref<128x64xf32, #tpu.memory_space<vmem>> -> memref<64x64xf32, #tpu.memory_space<vmem>>
      tpu.wait_dma2 semaphore(%arg22 : memref<!tpu.dma_semaphore, #tpu.memory_space<semaphore_mem>>) src(%dma_wait3A_309 : memref<64x64xf32, #tpu.memory_space<vmem>>) dst(%dma_wait3A_306 : memref<64x64xf32, #tpu.memory_space<hbm>>)
      %dma_wait3A_310 = arith.constant 64 : i32
      %dma_wait3A_311 = arith.constant 0 : i32
      %dma_wait3A_312 = tpu.memref_slice %arg14[%dma_wait3A_310, %dma_wait3A_311] : memref<128x64xf32, #tpu.memory_space<vmem>> -> memref<64x64xf32, #tpu.memory_space<vmem>>
      %dma_wait3A_313 = arith.constant 64 : i32
      %dma_wait3A_314 = tpu.memref_slice %arg7[%add3A_157, %dma_wait3A_313] : memref<131072x128xf32, #tpu.memory_space<hbm>> -> memref<64x64xf32, #tpu.memory_space<hbm>>
      %dma_wait3A_315 = arith.constant 64 : i32
      %dma_wait3A_316 = tpu.memref_slice %arg7[%add3A_157, %dma_wait3A_315] : memref<131072x128xf32, #tpu.memory_space<hbm>> -> memref<64x64xf32, #tpu.memory_space<hbm>>
      %dma_wait3A_317 = arith.constant 64 : i32
      %dma_wait3A_318 = arith.constant 0 : i32
      %dma_wait3A_319 = tpu.memref_slice %arg14[%dma_wait3A_317, %dma_wait3A_318] : memref<128x64xf32, #tpu.memory_space<vmem>> -> memref<64x64xf32, #tpu.memory_space<vmem>>
      tpu.wait_dma2 semaphore(%arg22 : memref<!tpu.dma_semaphore, #tpu.memory_space<semaphore_mem>>) src(%dma_wait3A_319 : memref<64x64xf32, #tpu.memory_space<vmem>>) dst(%dma_wait3A_316 : memref<64x64xf32, #tpu.memory_space<hbm>>)
      %add3A_320 = arith.constant 5 : i32
      %add3A_321 = arith.addi %mul3A_48, %add3A_320 : i32
      %add3A_322 = arith.constant 1 : i32
      %add3A_323 = arith.addi %add3A_321, %add3A_322 : i32
      %dma_start3A_324 = arith.constant 0 : i32
      %dma_start3A_325 = tpu.memref_slice %arg11[%add3A_323, %dma_start3A_324] : memref<64x128xi32, #tpu.memory_space<vmem>> -> memref<1x128xi32, #tpu.memory_space<vmem>>
      %dma_start3A_326 = tpu.memref_squeeze %dma_start3A_325 : memref<1x128xi32, #tpu.memory_space<vmem>> -> memref<128xi32, #tpu.memory_space<vmem>>
      %dma_start3A_327 = arith.constant 0 : i32
      %dma_start3A_328 = arith.constant 0 : i32
      %dma_start3A_329 = tpu.memref_slice %arg2[%dma_start3A_327, %dma_start3A_328] : memref<100000x64xf32, #tpu.memory_space<hbm>> -> memref<100000x64xf32, #tpu.memory_space<hbm>>
      tpu.enqueue_indirect_dma source(%dma_start3A_329 : memref<100000x64xf32, #tpu.memory_space<hbm>>) target(%arg14 : memref<128x64xf32, #tpu.memory_space<vmem>>) offsets(%dma_start3A_326 : memref<128xi32, #tpu.memory_space<vmem>>) semaphore(%arg18 : memref<!tpu.dma_semaphore, #tpu.memory_space<semaphore_mem>>)
      %dma_wait3A_330 = arith.constant 0 : i32
      %dma_wait3A_331 = tpu.memref_slice %arg11[%add3A_262, %dma_wait3A_330] : memref<64x128xi32, #tpu.memory_space<vmem>> -> memref<1x128xi32, #tpu.memory_space<vmem>>
      %dma_wait3A_332 = tpu.memref_squeeze %dma_wait3A_331 : memref<1x128xi32, #tpu.memory_space<vmem>> -> memref<128xi32, #tpu.memory_space<vmem>>
      %dma_wait3A_333 = arith.constant 0 : i32
      %dma_wait3A_334 = arith.constant 0 : i32
      %dma_wait3A_335 = tpu.memref_slice %arg2[%dma_wait3A_333, %dma_wait3A_334] : memref<100000x64xf32, #tpu.memory_space<hbm>> -> memref<100000x64xf32, #tpu.memory_space<hbm>>
      tpu.wait_indirect_dma semaphore(%arg19 : memref<!tpu.dma_semaphore, #tpu.memory_space<semaphore_mem>>) src(%dma_wait3A_335 : memref<100000x64xf32, #tpu.memory_space<hbm>>) dst(%arg13 : memref<128x64xf32, #tpu.memory_space<vmem>>)
      %add3A_336 = arith.constant 5 : i32
      %add3A_337 = arith.addi %mul3A_48, %add3A_336 : i32
      %mul3A_338 = arith.constant 64 : i32
      %mul3A_339 = arith.muli %add3A_337, %mul3A_338 : i32
      %add3A_340 = arith.addi %mul3A_6, %mul3A_339 : i32
      %dma_start3A_341 = arith.constant 0 : i32
      %dma_start3A_342 = arith.constant 0 : i32
      %dma_start3A_343 = tpu.memref_slice %arg13[%dma_start3A_341, %dma_start3A_342] : memref<128x64xf32, #tpu.memory_space<vmem>> -> memref<64x64xf32, #tpu.memory_space<vmem>>
      %dma_start3A_344 = arith.constant 0 : i32
      %dma_start3A_345 = tpu.memref_slice %arg7[%add3A_340, %dma_start3A_344] : memref<131072x128xf32, #tpu.memory_space<hbm>> -> memref<64x64xf32, #tpu.memory_space<hbm>>
      %dma_start3A_346 = arith.constant 0 : i32
      %dma_start3A_347 = tpu.memref_slice %arg7[%add3A_340, %dma_start3A_346] : memref<131072x128xf32, #tpu.memory_space<hbm>> -> memref<64x64xf32, #tpu.memory_space<hbm>>
      %dma_start3A_348 = arith.constant 0 : i32
      %dma_start3A_349 = arith.constant 0 : i32
      %dma_start3A_350 = tpu.memref_slice %arg13[%dma_start3A_348, %dma_start3A_349] : memref<128x64xf32, #tpu.memory_space<vmem>> -> memref<64x64xf32, #tpu.memory_space<vmem>>
      tpu.enqueue_dma source(%dma_start3A_350 : memref<64x64xf32, #tpu.memory_space<vmem>>) target(%dma_start3A_347 : memref<64x64xf32, #tpu.memory_space<hbm>>) target_semaphore(%arg21 : memref<!tpu.dma_semaphore, #tpu.memory_space<semaphore_mem>>)
      %dma_start3A_351 = arith.constant 64 : i32
      %dma_start3A_352 = arith.constant 0 : i32
      %dma_start3A_353 = tpu.memref_slice %arg13[%dma_start3A_351, %dma_start3A_352] : memref<128x64xf32, #tpu.memory_space<vmem>> -> memref<64x64xf32, #tpu.memory_space<vmem>>
      %dma_start3A_354 = arith.constant 64 : i32
      %dma_start3A_355 = tpu.memref_slice %arg7[%add3A_340, %dma_start3A_354] : memref<131072x128xf32, #tpu.memory_space<hbm>> -> memref<64x64xf32, #tpu.memory_space<hbm>>
      %dma_start3A_356 = arith.constant 64 : i32
      %dma_start3A_357 = tpu.memref_slice %arg7[%add3A_340, %dma_start3A_356] : memref<131072x128xf32, #tpu.memory_space<hbm>> -> memref<64x64xf32, #tpu.memory_space<hbm>>
      %dma_start3A_358 = arith.constant 64 : i32
      %dma_start3A_359 = arith.constant 0 : i32
      %dma_start3A_360 = tpu.memref_slice %arg13[%dma_start3A_358, %dma_start3A_359] : memref<128x64xf32, #tpu.memory_space<vmem>> -> memref<64x64xf32, #tpu.memory_space<vmem>>
      tpu.enqueue_dma source(%dma_start3A_360 : memref<64x64xf32, #tpu.memory_space<vmem>>) target(%dma_start3A_357 : memref<64x64xf32, #tpu.memory_space<hbm>>) target_semaphore(%arg21 : memref<!tpu.dma_semaphore, #tpu.memory_space<semaphore_mem>>)
      %dma_wait3A_361 = arith.constant 0 : i32
      %dma_wait3A_362 = arith.constant 0 : i32
      %dma_wait3A_363 = tpu.memref_slice %arg15[%dma_wait3A_361, %dma_wait3A_362] : memref<128x64xf32, #tpu.memory_space<vmem>> -> memref<64x64xf32, #tpu.memory_space<vmem>>
      %dma_wait3A_364 = arith.constant 0 : i32
      %dma_wait3A_365 = tpu.memref_slice %arg7[%add3A_218, %dma_wait3A_364] : memref<131072x128xf32, #tpu.memory_space<hbm>> -> memref<64x64xf32, #tpu.memory_space<hbm>>
      %dma_wait3A_366 = arith.constant 0 : i32
      %dma_wait3A_367 = tpu.memref_slice %arg7[%add3A_218, %dma_wait3A_366] : memref<131072x128xf32, #tpu.memory_space<hbm>> -> memref<64x64xf32, #tpu.memory_space<hbm>>
      %dma_wait3A_368 = arith.constant 0 : i32
      %dma_wait3A_369 = arith.constant 0 : i32
      %dma_wait3A_370 = tpu.memref_slice %arg15[%dma_wait3A_368, %dma_wait3A_369] : memref<128x64xf32, #tpu.memory_space<vmem>> -> memref<64x64xf32, #tpu.memory_space<vmem>>
      tpu.wait_dma2 semaphore(%arg23 : memref<!tpu.dma_semaphore, #tpu.memory_space<semaphore_mem>>) src(%dma_wait3A_370 : memref<64x64xf32, #tpu.memory_space<vmem>>) dst(%dma_wait3A_367 : memref<64x64xf32, #tpu.memory_space<hbm>>)
      %dma_wait3A_371 = arith.constant 64 : i32
      %dma_wait3A_372 = arith.constant 0 : i32
      %dma_wait3A_373 = tpu.memref_slice %arg15[%dma_wait3A_371, %dma_wait3A_372] : memref<128x64xf32, #tpu.memory_space<vmem>> -> memref<64x64xf32, #tpu.memory_space<vmem>>
      %dma_wait3A_374 = arith.constant 64 : i32
      %dma_wait3A_375 = tpu.memref_slice %arg7[%add3A_218, %dma_wait3A_374] : memref<131072x128xf32, #tpu.memory_space<hbm>> -> memref<64x64xf32, #tpu.memory_space<hbm>>
      %dma_wait3A_376 = arith.constant 64 : i32
      %dma_wait3A_377 = tpu.memref_slice %arg7[%add3A_218, %dma_wait3A_376] : memref<131072x128xf32, #tpu.memory_space<hbm>> -> memref<64x64xf32, #tpu.memory_space<hbm>>
      %dma_wait3A_378 = arith.constant 64 : i32
      %dma_wait3A_379 = arith.constant 0 : i32
      %dma_wait3A_380 = tpu.memref_slice %arg15[%dma_wait3A_378, %dma_wait3A_379] : memref<128x64xf32, #tpu.memory_space<vmem>> -> memref<64x64xf32, #tpu.memory_space<vmem>>
      tpu.wait_dma2 semaphore(%arg23 : memref<!tpu.dma_semaphore, #tpu.memory_space<semaphore_mem>>) src(%dma_wait3A_380 : memref<64x64xf32, #tpu.memory_space<vmem>>) dst(%dma_wait3A_377 : memref<64x64xf32, #tpu.memory_space<hbm>>)
      %add3A_381 = arith.constant 6 : i32
      %add3A_382 = arith.addi %mul3A_48, %add3A_381 : i32
      %add3A_383 = arith.constant 1 : i32
      %add3A_384 = arith.addi %add3A_382, %add3A_383 : i32
      %dma_start3A_385 = arith.constant 0 : i32
      %dma_start3A_386 = tpu.memref_slice %arg11[%add3A_384, %dma_start3A_385] : memref<64x128xi32, #tpu.memory_space<vmem>> -> memref<1x128xi32, #tpu.memory_space<vmem>>
      %dma_start3A_387 = tpu.memref_squeeze %dma_start3A_386 : memref<1x128xi32, #tpu.memory_space<vmem>> -> memref<128xi32, #tpu.memory_space<vmem>>
      %dma_start3A_388 = arith.constant 0 : i32
      %dma_start3A_389 = arith.constant 0 : i32
      %dma_start3A_390 = tpu.memref_slice %arg2[%dma_start3A_388, %dma_start3A_389] : memref<100000x64xf32, #tpu.memory_space<hbm>> -> memref<100000x64xf32, #tpu.memory_space<hbm>>
      tpu.enqueue_indirect_dma source(%dma_start3A_390 : memref<100000x64xf32, #tpu.memory_space<hbm>>) target(%arg15 : memref<128x64xf32, #tpu.memory_space<vmem>>) offsets(%dma_start3A_387 : memref<128xi32, #tpu.memory_space<vmem>>) semaphore(%arg19 : memref<!tpu.dma_semaphore, #tpu.memory_space<semaphore_mem>>)
      %dma_wait3A_391 = arith.constant 0 : i32
      %dma_wait3A_392 = tpu.memref_slice %arg11[%add3A_323, %dma_wait3A_391] : memref<64x128xi32, #tpu.memory_space<vmem>> -> memref<1x128xi32, #tpu.memory_space<vmem>>
      %dma_wait3A_393 = tpu.memref_squeeze %dma_wait3A_392 : memref<1x128xi32, #tpu.memory_space<vmem>> -> memref<128xi32, #tpu.memory_space<vmem>>
      %dma_wait3A_394 = arith.constant 0 : i32
      %dma_wait3A_395 = arith.constant 0 : i32
      %dma_wait3A_396 = tpu.memref_slice %arg2[%dma_wait3A_394, %dma_wait3A_395] : memref<100000x64xf32, #tpu.memory_space<hbm>> -> memref<100000x64xf32, #tpu.memory_space<hbm>>
      tpu.wait_indirect_dma semaphore(%arg18 : memref<!tpu.dma_semaphore, #tpu.memory_space<semaphore_mem>>) src(%dma_wait3A_396 : memref<100000x64xf32, #tpu.memory_space<hbm>>) dst(%arg14 : memref<128x64xf32, #tpu.memory_space<vmem>>)
      %add3A_397 = arith.constant 6 : i32
      %add3A_398 = arith.addi %mul3A_48, %add3A_397 : i32
      %mul3A_399 = arith.constant 64 : i32
      %mul3A_400 = arith.muli %add3A_398, %mul3A_399 : i32
      %add3A_401 = arith.addi %mul3A_6, %mul3A_400 : i32
      %dma_start3A_402 = arith.constant 0 : i32
      %dma_start3A_403 = arith.constant 0 : i32
      %dma_start3A_404 = tpu.memref_slice %arg14[%dma_start3A_402, %dma_start3A_403] : memref<128x64xf32, #tpu.memory_space<vmem>> -> memref<64x64xf32, #tpu.memory_space<vmem>>
      %dma_start3A_405 = arith.constant 0 : i32
      %dma_start3A_406 = tpu.memref_slice %arg7[%add3A_401, %dma_start3A_405] : memref<131072x128xf32, #tpu.memory_space<hbm>> -> memref<64x64xf32, #tpu.memory_space<hbm>>
      %dma_start3A_407 = arith.constant 0 : i32
      %dma_start3A_408 = tpu.memref_slice %arg7[%add3A_401, %dma_start3A_407] : memref<131072x128xf32, #tpu.memory_space<hbm>> -> memref<64x64xf32, #tpu.memory_space<hbm>>
      %dma_start3A_409 = arith.constant 0 : i32
      %dma_start3A_410 = arith.constant 0 : i32
      %dma_start3A_411 = tpu.memref_slice %arg14[%dma_start3A_409, %dma_start3A_410] : memref<128x64xf32, #tpu.memory_space<vmem>> -> memref<64x64xf32, #tpu.memory_space<vmem>>
      tpu.enqueue_dma source(%dma_start3A_411 : memref<64x64xf32, #tpu.memory_space<vmem>>) target(%dma_start3A_408 : memref<64x64xf32, #tpu.memory_space<hbm>>) target_semaphore(%arg22 : memref<!tpu.dma_semaphore, #tpu.memory_space<semaphore_mem>>)
      %dma_start3A_412 = arith.constant 64 : i32
      %dma_start3A_413 = arith.constant 0 : i32
      %dma_start3A_414 = tpu.memref_slice %arg14[%dma_start3A_412, %dma_start3A_413] : memref<128x64xf32, #tpu.memory_space<vmem>> -> memref<64x64xf32, #tpu.memory_space<vmem>>
      %dma_start3A_415 = arith.constant 64 : i32
      %dma_start3A_416 = tpu.memref_slice %arg7[%add3A_401, %dma_start3A_415] : memref<131072x128xf32, #tpu.memory_space<hbm>> -> memref<64x64xf32, #tpu.memory_space<hbm>>
      %dma_start3A_417 = arith.constant 64 : i32
      %dma_start3A_418 = tpu.memref_slice %arg7[%add3A_401, %dma_start3A_417] : memref<131072x128xf32, #tpu.memory_space<hbm>> -> memref<64x64xf32, #tpu.memory_space<hbm>>
      %dma_start3A_419 = arith.constant 64 : i32
      %dma_start3A_420 = arith.constant 0 : i32
      %dma_start3A_421 = tpu.memref_slice %arg14[%dma_start3A_419, %dma_start3A_420] : memref<128x64xf32, #tpu.memory_space<vmem>> -> memref<64x64xf32, #tpu.memory_space<vmem>>
      tpu.enqueue_dma source(%dma_start3A_421 : memref<64x64xf32, #tpu.memory_space<vmem>>) target(%dma_start3A_418 : memref<64x64xf32, #tpu.memory_space<hbm>>) target_semaphore(%arg22 : memref<!tpu.dma_semaphore, #tpu.memory_space<semaphore_mem>>)
      %dma_wait3A_422 = arith.constant 0 : i32
      %dma_wait3A_423 = tpu.memref_slice %arg11[%add3A_384, %dma_wait3A_422] : memref<64x128xi32, #tpu.memory_space<vmem>> -> memref<1x128xi32, #tpu.memory_space<vmem>>
      %dma_wait3A_424 = tpu.memref_squeeze %dma_wait3A_423 : memref<1x128xi32, #tpu.memory_space<vmem>> -> memref<128xi32, #tpu.memory_space<vmem>>
      %dma_wait3A_425 = arith.constant 0 : i32
      %dma_wait3A_426 = arith.constant 0 : i32
      %dma_wait3A_427 = tpu.memref_slice %arg2[%dma_wait3A_425, %dma_wait3A_426] : memref<100000x64xf32, #tpu.memory_space<hbm>> -> memref<100000x64xf32, #tpu.memory_space<hbm>>
      tpu.wait_indirect_dma semaphore(%arg19 : memref<!tpu.dma_semaphore, #tpu.memory_space<semaphore_mem>>) src(%dma_wait3A_427 : memref<100000x64xf32, #tpu.memory_space<hbm>>) dst(%arg15 : memref<128x64xf32, #tpu.memory_space<vmem>>)
      %add3A_428 = arith.constant 7 : i32
      %add3A_429 = arith.addi %mul3A_48, %add3A_428 : i32
      %mul3A_430 = arith.constant 64 : i32
      %mul3A_431 = arith.muli %add3A_429, %mul3A_430 : i32
      %add3A_432 = arith.addi %mul3A_6, %mul3A_431 : i32
      %dma_start3A_433 = arith.constant 0 : i32
      %dma_start3A_434 = arith.constant 0 : i32
      %dma_start3A_435 = tpu.memref_slice %arg15[%dma_start3A_433, %dma_start3A_434] : memref<128x64xf32, #tpu.memory_space<vmem>> -> memref<64x64xf32, #tpu.memory_space<vmem>>
      %dma_start3A_436 = arith.constant 0 : i32
      %dma_start3A_437 = tpu.memref_slice %arg7[%add3A_432, %dma_start3A_436] : memref<131072x128xf32, #tpu.memory_space<hbm>> -> memref<64x64xf32, #tpu.memory_space<hbm>>
      %dma_start3A_438 = arith.constant 0 : i32
      %dma_start3A_439 = tpu.memref_slice %arg7[%add3A_432, %dma_start3A_438] : memref<131072x128xf32, #tpu.memory_space<hbm>> -> memref<64x64xf32, #tpu.memory_space<hbm>>
      %dma_start3A_440 = arith.constant 0 : i32
      %dma_start3A_441 = arith.constant 0 : i32
      %dma_start3A_442 = tpu.memref_slice %arg15[%dma_start3A_440, %dma_start3A_441] : memref<128x64xf32, #tpu.memory_space<vmem>> -> memref<64x64xf32, #tpu.memory_space<vmem>>
      tpu.enqueue_dma source(%dma_start3A_442 : memref<64x64xf32, #tpu.memory_space<vmem>>) target(%dma_start3A_439 : memref<64x64xf32, #tpu.memory_space<hbm>>) target_semaphore(%arg23 : memref<!tpu.dma_semaphore, #tpu.memory_space<semaphore_mem>>)
      %dma_start3A_443 = arith.constant 64 : i32
      %dma_start3A_444 = arith.constant 0 : i32
      %dma_start3A_445 = tpu.memref_slice %arg15[%dma_start3A_443, %dma_start3A_444] : memref<128x64xf32, #tpu.memory_space<vmem>> -> memref<64x64xf32, #tpu.memory_space<vmem>>
      %dma_start3A_446 = arith.constant 64 : i32
      %dma_start3A_447 = tpu.memref_slice %arg7[%add3A_432, %dma_start3A_446] : memref<131072x128xf32, #tpu.memory_space<hbm>> -> memref<64x64xf32, #tpu.memory_space<hbm>>
      %dma_start3A_448 = arith.constant 64 : i32
      %dma_start3A_449 = tpu.memref_slice %arg7[%add3A_432, %dma_start3A_448] : memref<131072x128xf32, #tpu.memory_space<hbm>> -> memref<64x64xf32, #tpu.memory_space<hbm>>
      %dma_start3A_450 = arith.constant 64 : i32
      %dma_start3A_451 = arith.constant 0 : i32
      %dma_start3A_452 = tpu.memref_slice %arg15[%dma_start3A_450, %dma_start3A_451] : memref<128x64xf32, #tpu.memory_space<vmem>> -> memref<64x64xf32, #tpu.memory_space<vmem>>
      tpu.enqueue_dma source(%dma_start3A_452 : memref<64x64xf32, #tpu.memory_space<vmem>>) target(%dma_start3A_449 : memref<64x64xf32, #tpu.memory_space<hbm>>) target_semaphore(%arg23 : memref<!tpu.dma_semaphore, #tpu.memory_space<semaphore_mem>>)
      %dma_wait3A_453 = arith.constant 0 : i32
      %dma_wait3A_454 = arith.constant 0 : i32
      %dma_wait3A_455 = tpu.memref_slice %arg12[%dma_wait3A_453, %dma_wait3A_454] : memref<128x64xf32, #tpu.memory_space<vmem>> -> memref<64x64xf32, #tpu.memory_space<vmem>>
      %dma_wait3A_456 = arith.constant 0 : i32
      %dma_wait3A_457 = tpu.memref_slice %arg7[%add3A_279, %dma_wait3A_456] : memref<131072x128xf32, #tpu.memory_space<hbm>> -> memref<64x64xf32, #tpu.memory_space<hbm>>
      %dma_wait3A_458 = arith.constant 0 : i32
      %dma_wait3A_459 = tpu.memref_slice %arg7[%add3A_279, %dma_wait3A_458] : memref<131072x128xf32, #tpu.memory_space<hbm>> -> memref<64x64xf32, #tpu.memory_space<hbm>>
      %dma_wait3A_460 = arith.constant 0 : i32
      %dma_wait3A_461 = arith.constant 0 : i32
      %dma_wait3A_462 = tpu.memref_slice %arg12[%dma_wait3A_460, %dma_wait3A_461] : memref<128x64xf32, #tpu.memory_space<vmem>> -> memref<64x64xf32, #tpu.memory_space<vmem>>
      tpu.wait_dma2 semaphore(%arg20 : memref<!tpu.dma_semaphore, #tpu.memory_space<semaphore_mem>>) src(%dma_wait3A_462 : memref<64x64xf32, #tpu.memory_space<vmem>>) dst(%dma_wait3A_459 : memref<64x64xf32, #tpu.memory_space<hbm>>)
      %dma_wait3A_463 = arith.constant 64 : i32
      %dma_wait3A_464 = arith.constant 0 : i32
      %dma_wait3A_465 = tpu.memref_slice %arg12[%dma_wait3A_463, %dma_wait3A_464] : memref<128x64xf32, #tpu.memory_space<vmem>> -> memref<64x64xf32, #tpu.memory_space<vmem>>
      %dma_wait3A_466 = arith.constant 64 : i32
      %dma_wait3A_467 = tpu.memref_slice %arg7[%add3A_279, %dma_wait3A_466] : memref<131072x128xf32, #tpu.memory_space<hbm>> -> memref<64x64xf32, #tpu.memory_space<hbm>>
      %dma_wait3A_468 = arith.constant 64 : i32
      %dma_wait3A_469 = tpu.memref_slice %arg7[%add3A_279, %dma_wait3A_468] : memref<131072x128xf32, #tpu.memory_space<hbm>> -> memref<64x64xf32, #tpu.memory_space<hbm>>
      %dma_wait3A_470 = arith.constant 64 : i32
      %dma_wait3A_471 = arith.constant 0 : i32
      %dma_wait3A_472 = tpu.memref_slice %arg12[%dma_wait3A_470, %dma_wait3A_471] : memref<128x64xf32, #tpu.memory_space<vmem>> -> memref<64x64xf32, #tpu.memory_space<vmem>>
      tpu.wait_dma2 semaphore(%arg20 : memref<!tpu.dma_semaphore, #tpu.memory_space<semaphore_mem>>) src(%dma_wait3A_472 : memref<64x64xf32, #tpu.memory_space<vmem>>) dst(%dma_wait3A_469 : memref<64x64xf32, #tpu.memory_space<hbm>>)
      %dma_wait3A_473 = arith.constant 0 : i32
      %dma_wait3A_474 = arith.constant 0 : i32
      %dma_wait3A_475 = tpu.memref_slice %arg13[%dma_wait3A_473, %dma_wait3A_474] : memref<128x64xf32, #tpu.memory_space<vmem>> -> memref<64x64xf32, #tpu.memory_space<vmem>>
      %dma_wait3A_476 = arith.constant 0 : i32
      %dma_wait3A_477 = tpu.memref_slice %arg7[%add3A_340, %dma_wait3A_476] : memref<131072x128xf32, #tpu.memory_space<hbm>> -> memref<64x64xf32, #tpu.memory_space<hbm>>
      %dma_wait3A_478 = arith.constant 0 : i32
      %dma_wait3A_479 = tpu.memref_slice %arg7[%add3A_340, %dma_wait3A_478] : memref<131072x128xf32, #tpu.memory_space<hbm>> -> memref<64x64xf32, #tpu.memory_space<hbm>>
      %dma_wait3A_480 = arith.constant 0 : i32
      %dma_wait3A_481 = arith.constant 0 : i32
      %dma_wait3A_482 = tpu.memref_slice %arg13[%dma_wait3A_480, %dma_wait3A_481] : memref<128x64xf32, #tpu.memory_space<vmem>> -> memref<64x64xf32, #tpu.memory_space<vmem>>
      tpu.wait_dma2 semaphore(%arg21 : memref<!tpu.dma_semaphore, #tpu.memory_space<semaphore_mem>>) src(%dma_wait3A_482 : memref<64x64xf32, #tpu.memory_space<vmem>>) dst(%dma_wait3A_479 : memref<64x64xf32, #tpu.memory_space<hbm>>)
      %dma_wait3A_483 = arith.constant 64 : i32
      %dma_wait3A_484 = arith.constant 0 : i32
      %dma_wait3A_485 = tpu.memref_slice %arg13[%dma_wait3A_483, %dma_wait3A_484] : memref<128x64xf32, #tpu.memory_space<vmem>> -> memref<64x64xf32, #tpu.memory_space<vmem>>
      %dma_wait3A_486 = arith.constant 64 : i32
      %dma_wait3A_487 = tpu.memref_slice %arg7[%add3A_340, %dma_wait3A_486] : memref<131072x128xf32, #tpu.memory_space<hbm>> -> memref<64x64xf32, #tpu.memory_space<hbm>>
      %dma_wait3A_488 = arith.constant 64 : i32
      %dma_wait3A_489 = tpu.memref_slice %arg7[%add3A_340, %dma_wait3A_488] : memref<131072x128xf32, #tpu.memory_space<hbm>> -> memref<64x64xf32, #tpu.memory_space<hbm>>
      %dma_wait3A_490 = arith.constant 64 : i32
      %dma_wait3A_491 = arith.constant 0 : i32
      %dma_wait3A_492 = tpu.memref_slice %arg13[%dma_wait3A_490, %dma_wait3A_491] : memref<128x64xf32, #tpu.memory_space<vmem>> -> memref<64x64xf32, #tpu.memory_space<vmem>>
      tpu.wait_dma2 semaphore(%arg21 : memref<!tpu.dma_semaphore, #tpu.memory_space<semaphore_mem>>) src(%dma_wait3A_492 : memref<64x64xf32, #tpu.memory_space<vmem>>) dst(%dma_wait3A_489 : memref<64x64xf32, #tpu.memory_space<hbm>>)
      %dma_wait3A_493 = arith.constant 0 : i32
      %dma_wait3A_494 = arith.constant 0 : i32
      %dma_wait3A_495 = tpu.memref_slice %arg14[%dma_wait3A_493, %dma_wait3A_494] : memref<128x64xf32, #tpu.memory_space<vmem>> -> memref<64x64xf32, #tpu.memory_space<vmem>>
      %dma_wait3A_496 = arith.constant 0 : i32
      %dma_wait3A_497 = tpu.memref_slice %arg7[%add3A_401, %dma_wait3A_496] : memref<131072x128xf32, #tpu.memory_space<hbm>> -> memref<64x64xf32, #tpu.memory_space<hbm>>
      %dma_wait3A_498 = arith.constant 0 : i32
      %dma_wait3A_499 = tpu.memref_slice %arg7[%add3A_401, %dma_wait3A_498] : memref<131072x128xf32, #tpu.memory_space<hbm>> -> memref<64x64xf32, #tpu.memory_space<hbm>>
      %dma_wait3A_500 = arith.constant 0 : i32
      %dma_wait3A_501 = arith.constant 0 : i32
      %dma_wait3A_502 = tpu.memref_slice %arg14[%dma_wait3A_500, %dma_wait3A_501] : memref<128x64xf32, #tpu.memory_space<vmem>> -> memref<64x64xf32, #tpu.memory_space<vmem>>
      tpu.wait_dma2 semaphore(%arg22 : memref<!tpu.dma_semaphore, #tpu.memory_space<semaphore_mem>>) src(%dma_wait3A_502 : memref<64x64xf32, #tpu.memory_space<vmem>>) dst(%dma_wait3A_499 : memref<64x64xf32, #tpu.memory_space<hbm>>)
      %dma_wait3A_503 = arith.constant 64 : i32
      %dma_wait3A_504 = arith.constant 0 : i32
      %dma_wait3A_505 = tpu.memref_slice %arg14[%dma_wait3A_503, %dma_wait3A_504] : memref<128x64xf32, #tpu.memory_space<vmem>> -> memref<64x64xf32, #tpu.memory_space<vmem>>
      %dma_wait3A_506 = arith.constant 64 : i32
      %dma_wait3A_507 = tpu.memref_slice %arg7[%add3A_401, %dma_wait3A_506] : memref<131072x128xf32, #tpu.memory_space<hbm>> -> memref<64x64xf32, #tpu.memory_space<hbm>>
      %dma_wait3A_508 = arith.constant 64 : i32
      %dma_wait3A_509 = tpu.memref_slice %arg7[%add3A_401, %dma_wait3A_508] : memref<131072x128xf32, #tpu.memory_space<hbm>> -> memref<64x64xf32, #tpu.memory_space<hbm>>
      %dma_wait3A_510 = arith.constant 64 : i32
      %dma_wait3A_511 = arith.constant 0 : i32
      %dma_wait3A_512 = tpu.memref_slice %arg14[%dma_wait3A_510, %dma_wait3A_511] : memref<128x64xf32, #tpu.memory_space<vmem>> -> memref<64x64xf32, #tpu.memory_space<vmem>>
      tpu.wait_dma2 semaphore(%arg22 : memref<!tpu.dma_semaphore, #tpu.memory_space<semaphore_mem>>) src(%dma_wait3A_512 : memref<64x64xf32, #tpu.memory_space<vmem>>) dst(%dma_wait3A_509 : memref<64x64xf32, #tpu.memory_space<hbm>>)
      %dma_wait3A_513 = arith.constant 0 : i32
      %dma_wait3A_514 = arith.constant 0 : i32
      %dma_wait3A_515 = tpu.memref_slice %arg15[%dma_wait3A_513, %dma_wait3A_514] : memref<128x64xf32, #tpu.memory_space<vmem>> -> memref<64x64xf32, #tpu.memory_space<vmem>>
      %dma_wait3A_516 = arith.constant 0 : i32
      %dma_wait3A_517 = tpu.memref_slice %arg7[%add3A_432, %dma_wait3A_516] : memref<131072x128xf32, #tpu.memory_space<hbm>> -> memref<64x64xf32, #tpu.memory_space<hbm>>
      %dma_wait3A_518 = arith.constant 0 : i32
      %dma_wait3A_519 = tpu.memref_slice %arg7[%add3A_432, %dma_wait3A_518] : memref<131072x128xf32, #tpu.memory_space<hbm>> -> memref<64x64xf32, #tpu.memory_space<hbm>>
      %dma_wait3A_520 = arith.constant 0 : i32
      %dma_wait3A_521 = arith.constant 0 : i32
      %dma_wait3A_522 = tpu.memref_slice %arg15[%dma_wait3A_520, %dma_wait3A_521] : memref<128x64xf32, #tpu.memory_space<vmem>> -> memref<64x64xf32, #tpu.memory_space<vmem>>
      tpu.wait_dma2 semaphore(%arg23 : memref<!tpu.dma_semaphore, #tpu.memory_space<semaphore_mem>>) src(%dma_wait3A_522 : memref<64x64xf32, #tpu.memory_space<vmem>>) dst(%dma_wait3A_519 : memref<64x64xf32, #tpu.memory_space<hbm>>)
      %dma_wait3A_523 = arith.constant 64 : i32
      %dma_wait3A_524 = arith.constant 0 : i32
      %dma_wait3A_525 = tpu.memref_slice %arg15[%dma_wait3A_523, %dma_wait3A_524] : memref<128x64xf32, #tpu.memory_space<vmem>> -> memref<64x64xf32, #tpu.memory_space<vmem>>
      %dma_wait3A_526 = arith.constant 64 : i32
      %dma_wait3A_527 = tpu.memref_slice %arg7[%add3A_432, %dma_wait3A_526] : memref<131072x128xf32, #tpu.memory_space<hbm>> -> memref<64x64xf32, #tpu.memory_space<hbm>>
      %dma_wait3A_528 = arith.constant 64 : i32
      %dma_wait3A_529 = tpu.memref_slice %arg7[%add3A_432, %dma_wait3A_528] : memref<131072x128xf32, #tpu.memory_space<hbm>> -> memref<64x64xf32, #tpu.memory_space<hbm>>
      %dma_wait3A_530 = arith.constant 64 : i32
      %dma_wait3A_531 = arith.constant 0 : i32
      %dma_wait3A_532 = tpu.memref_slice %arg15[%dma_wait3A_530, %dma_wait3A_531] : memref<128x64xf32, #tpu.memory_space<vmem>> -> memref<64x64xf32, #tpu.memory_space<vmem>>
      tpu.wait_dma2 semaphore(%arg23 : memref<!tpu.dma_semaphore, #tpu.memory_space<semaphore_mem>>) src(%dma_wait3A_532 : memref<64x64xf32, #tpu.memory_space<vmem>>) dst(%dma_wait3A_529 : memref<64x64xf32, #tpu.memory_space<hbm>>)
    }
    %scan3A_17 = arith.constant 8 : i32
    %mul3A_18 = arith.constant 128 : i32
    %mul3A_19 = arith.muli %add3A, %mul3A_18 : i32
    "tpu.region"() ({
      %run_scoped3A = tpu.sem_alloc : memref<!tpu.dma_semaphore, #tpu.memory_space<semaphore_mem>>
      %dma_start3A_46 = arith.constant 0 : i32
      %dma_start3A_47 = arith.constant 0 : i32
      %dma_start3A_48 = tpu.memref_slice %arg5[%add3A, %dma_start3A_46, %dma_start3A_47] : memref<32x1x128xi32, #tpu.memory_space<hbm>> -> memref<1x1x128xi32, #tpu.memory_space<hbm>>
      %dma_start3A_49 = tpu.memref_squeeze %dma_start3A_48 : memref<1x1x128xi32, #tpu.memory_space<hbm>> -> memref<1x128xi32, #tpu.memory_space<hbm>>
      %dma_start3A_50 = arith.constant 0 : i32
      %dma_start3A_51 = arith.constant 0 : i32
      %dma_start3A_52 = tpu.memref_slice %arg5[%add3A, %dma_start3A_50, %dma_start3A_51] : memref<32x1x128xi32, #tpu.memory_space<hbm>> -> memref<1x1x128xi32, #tpu.memory_space<hbm>>
      %dma_start3A_53 = tpu.memref_squeeze %dma_start3A_52 : memref<1x1x128xi32, #tpu.memory_space<hbm>> -> memref<1x128xi32, #tpu.memory_space<hbm>>
      tpu.enqueue_dma source(%dma_start3A_53 : memref<1x128xi32, #tpu.memory_space<hbm>>) target(%arg17 : memref<1x128xi32, #tpu.memory_space<vmem>>) target_semaphore(%run_scoped3A : memref<!tpu.dma_semaphore, #tpu.memory_space<semaphore_mem>>)
      %dma_wait3A_54 = arith.constant 0 : i32
      %dma_wait3A_55 = arith.constant 0 : i32
      %dma_wait3A_56 = tpu.memref_slice %arg5[%add3A, %dma_wait3A_54, %dma_wait3A_55] : memref<32x1x128xi32, #tpu.memory_space<hbm>> -> memref<1x1x128xi32, #tpu.memory_space<hbm>>
      %dma_wait3A_57 = tpu.memref_squeeze %dma_wait3A_56 : memref<1x1x128xi32, #tpu.memory_space<hbm>> -> memref<1x128xi32, #tpu.memory_space<hbm>>
      %dma_wait3A_58 = arith.constant 0 : i32
      %dma_wait3A_59 = arith.constant 0 : i32
      %dma_wait3A_60 = tpu.memref_slice %arg5[%add3A, %dma_wait3A_58, %dma_wait3A_59] : memref<32x1x128xi32, #tpu.memory_space<hbm>> -> memref<1x1x128xi32, #tpu.memory_space<hbm>>
      %dma_wait3A_61 = tpu.memref_squeeze %dma_wait3A_60 : memref<1x1x128xi32, #tpu.memory_space<hbm>> -> memref<1x128xi32, #tpu.memory_space<hbm>>
      tpu.wait_dma2 semaphore(%run_scoped3A : memref<!tpu.dma_semaphore, #tpu.memory_space<semaphore_mem>>) src(%dma_wait3A_61 : memref<1x128xi32, #tpu.memory_space<hbm>>) dst(%arg17 : memref<1x128xi32, #tpu.memory_space<vmem>>)
      tpu.yield
    }) : () -> ()
    %dma_start3A = arith.constant 0 : i32
    %dma_start3A_20 = arith.constant 0 : i32
    %dma_start3A_21 = tpu.memref_slice %arg17[%dma_start3A, %dma_start3A_20] : memref<1x128xi32, #tpu.memory_space<vmem>> -> memref<1x128xi32, #tpu.memory_space<vmem>>
    %dma_start3A_22 = tpu.memref_squeeze %dma_start3A_21 : memref<1x128xi32, #tpu.memory_space<vmem>> -> memref<128xi32, #tpu.memory_space<vmem>>
    %dma_start3A_23 = arith.constant 0 : i32
    %dma_start3A_24 = arith.constant 0 : i32
    %dma_start3A_25 = tpu.memref_slice %arg3[%dma_start3A_23, %dma_start3A_24] : memref<100000x64xf32, #tpu.memory_space<hbm>> -> memref<100000x64xf32, #tpu.memory_space<hbm>>
    tpu.enqueue_indirect_dma source(%dma_start3A_25 : memref<100000x64xf32, #tpu.memory_space<hbm>>) target(%arg16 : memref<128x64xf32, #tpu.memory_space<vmem>>) offsets(%dma_start3A_22 : memref<128xi32, #tpu.memory_space<vmem>>) semaphore(%arg18 : memref<!tpu.dma_semaphore, #tpu.memory_space<semaphore_mem>>)
    %dma_wait3A = arith.constant 0 : i32
    %dma_wait3A_26 = arith.constant 0 : i32
    %dma_wait3A_27 = tpu.memref_slice %arg17[%dma_wait3A, %dma_wait3A_26] : memref<1x128xi32, #tpu.memory_space<vmem>> -> memref<1x128xi32, #tpu.memory_space<vmem>>
    %dma_wait3A_28 = tpu.memref_squeeze %dma_wait3A_27 : memref<1x128xi32, #tpu.memory_space<vmem>> -> memref<128xi32, #tpu.memory_space<vmem>>
    %dma_wait3A_29 = arith.constant 0 : i32
    %dma_wait3A_30 = arith.constant 0 : i32
    %dma_wait3A_31 = tpu.memref_slice %arg3[%dma_wait3A_29, %dma_wait3A_30] : memref<100000x64xf32, #tpu.memory_space<hbm>> -> memref<100000x64xf32, #tpu.memory_space<hbm>>
    tpu.wait_indirect_dma semaphore(%arg18 : memref<!tpu.dma_semaphore, #tpu.memory_space<semaphore_mem>>) src(%dma_wait3A_31 : memref<100000x64xf32, #tpu.memory_space<hbm>>) dst(%arg16 : memref<128x64xf32, #tpu.memory_space<vmem>>)
    "tpu.region"() ({
      %run_scoped3A = tpu.sem_alloc : memref<!tpu.dma_semaphore, #tpu.memory_space<semaphore_mem>>
      %dma_start3A_46 = arith.constant 0 : i32
      %dma_start3A_47 = tpu.memref_slice %arg8[%mul3A_19, %dma_start3A_46] : memref<4096x64xf32, #tpu.memory_space<hbm>> -> memref<128x64xf32, #tpu.memory_space<hbm>>
      %dma_start3A_48 = arith.constant 0 : i32
      %dma_start3A_49 = tpu.memref_slice %arg8[%mul3A_19, %dma_start3A_48] : memref<4096x64xf32, #tpu.memory_space<hbm>> -> memref<128x64xf32, #tpu.memory_space<hbm>>
      tpu.enqueue_dma source(%arg16 : memref<128x64xf32, #tpu.memory_space<vmem>>) target(%dma_start3A_49 : memref<128x64xf32, #tpu.memory_space<hbm>>) target_semaphore(%run_scoped3A : memref<!tpu.dma_semaphore, #tpu.memory_space<semaphore_mem>>)
      %dma_wait3A_50 = arith.constant 0 : i32
      %dma_wait3A_51 = tpu.memref_slice %arg8[%mul3A_19, %dma_wait3A_50] : memref<4096x64xf32, #tpu.memory_space<hbm>> -> memref<128x64xf32, #tpu.memory_space<hbm>>
      %dma_wait3A_52 = arith.constant 0 : i32
      %dma_wait3A_53 = tpu.memref_slice %arg8[%mul3A_19, %dma_wait3A_52] : memref<4096x64xf32, #tpu.memory_space<hbm>> -> memref<128x64xf32, #tpu.memory_space<hbm>>
      tpu.wait_dma2 semaphore(%run_scoped3A : memref<!tpu.dma_semaphore, #tpu.memory_space<semaphore_mem>>) src(%arg16 : memref<128x64xf32, #tpu.memory_space<vmem>>) dst(%dma_wait3A_53 : memref<128x64xf32, #tpu.memory_space<hbm>>)
      tpu.yield
    }) : () -> ()
    "tpu.region"() ({
      %run_scoped3A = tpu.sem_alloc : memref<!tpu.dma_semaphore, #tpu.memory_space<semaphore_mem>>
      %dma_start3A_46 = arith.constant 0 : i32
      %dma_start3A_47 = arith.constant 0 : i32
      %dma_start3A_48 = tpu.memref_slice %arg6[%add3A, %dma_start3A_46, %dma_start3A_47] : memref<32x1x128xi32, #tpu.memory_space<hbm>> -> memref<1x1x128xi32, #tpu.memory_space<hbm>>
      %dma_start3A_49 = tpu.memref_squeeze %dma_start3A_48 : memref<1x1x128xi32, #tpu.memory_space<hbm>> -> memref<1x128xi32, #tpu.memory_space<hbm>>
      %dma_start3A_50 = arith.constant 0 : i32
      %dma_start3A_51 = arith.constant 0 : i32
      %dma_start3A_52 = tpu.memref_slice %arg6[%add3A, %dma_start3A_50, %dma_start3A_51] : memref<32x1x128xi32, #tpu.memory_space<hbm>> -> memref<1x1x128xi32, #tpu.memory_space<hbm>>
      %dma_start3A_53 = tpu.memref_squeeze %dma_start3A_52 : memref<1x1x128xi32, #tpu.memory_space<hbm>> -> memref<1x128xi32, #tpu.memory_space<hbm>>
      tpu.enqueue_dma source(%dma_start3A_53 : memref<1x128xi32, #tpu.memory_space<hbm>>) target(%arg17 : memref<1x128xi32, #tpu.memory_space<vmem>>) target_semaphore(%run_scoped3A : memref<!tpu.dma_semaphore, #tpu.memory_space<semaphore_mem>>)
      %dma_wait3A_54 = arith.constant 0 : i32
      %dma_wait3A_55 = arith.constant 0 : i32
      %dma_wait3A_56 = tpu.memref_slice %arg6[%add3A, %dma_wait3A_54, %dma_wait3A_55] : memref<32x1x128xi32, #tpu.memory_space<hbm>> -> memref<1x1x128xi32, #tpu.memory_space<hbm>>
      %dma_wait3A_57 = tpu.memref_squeeze %dma_wait3A_56 : memref<1x1x128xi32, #tpu.memory_space<hbm>> -> memref<1x128xi32, #tpu.memory_space<hbm>>
      %dma_wait3A_58 = arith.constant 0 : i32
      %dma_wait3A_59 = arith.constant 0 : i32
      %dma_wait3A_60 = tpu.memref_slice %arg6[%add3A, %dma_wait3A_58, %dma_wait3A_59] : memref<32x1x128xi32, #tpu.memory_space<hbm>> -> memref<1x1x128xi32, #tpu.memory_space<hbm>>
      %dma_wait3A_61 = tpu.memref_squeeze %dma_wait3A_60 : memref<1x1x128xi32, #tpu.memory_space<hbm>> -> memref<1x128xi32, #tpu.memory_space<hbm>>
      tpu.wait_dma2 semaphore(%run_scoped3A : memref<!tpu.dma_semaphore, #tpu.memory_space<semaphore_mem>>) src(%dma_wait3A_61 : memref<1x128xi32, #tpu.memory_space<hbm>>) dst(%arg17 : memref<1x128xi32, #tpu.memory_space<vmem>>)
      tpu.yield
    }) : () -> ()
    %dma_start3A_32 = arith.constant 0 : i32
    %dma_start3A_33 = arith.constant 0 : i32
    %dma_start3A_34 = tpu.memref_slice %arg17[%dma_start3A_32, %dma_start3A_33] : memref<1x128xi32, #tpu.memory_space<vmem>> -> memref<1x128xi32, #tpu.memory_space<vmem>>
    %dma_start3A_35 = tpu.memref_squeeze %dma_start3A_34 : memref<1x128xi32, #tpu.memory_space<vmem>> -> memref<128xi32, #tpu.memory_space<vmem>>
    %dma_start3A_36 = arith.constant 0 : i32
    %dma_start3A_37 = arith.constant 0 : i32
    %dma_start3A_38 = tpu.memref_slice %arg2[%dma_start3A_36, %dma_start3A_37] : memref<100000x64xf32, #tpu.memory_space<hbm>> -> memref<100000x64xf32, #tpu.memory_space<hbm>>
    tpu.enqueue_indirect_dma source(%dma_start3A_38 : memref<100000x64xf32, #tpu.memory_space<hbm>>) target(%arg16 : memref<128x64xf32, #tpu.memory_space<vmem>>) offsets(%dma_start3A_35 : memref<128xi32, #tpu.memory_space<vmem>>) semaphore(%arg18 : memref<!tpu.dma_semaphore, #tpu.memory_space<semaphore_mem>>)
    %dma_wait3A_39 = arith.constant 0 : i32
    %dma_wait3A_40 = arith.constant 0 : i32
    %dma_wait3A_41 = tpu.memref_slice %arg17[%dma_wait3A_39, %dma_wait3A_40] : memref<1x128xi32, #tpu.memory_space<vmem>> -> memref<1x128xi32, #tpu.memory_space<vmem>>
    %dma_wait3A_42 = tpu.memref_squeeze %dma_wait3A_41 : memref<1x128xi32, #tpu.memory_space<vmem>> -> memref<128xi32, #tpu.memory_space<vmem>>
    %dma_wait3A_43 = arith.constant 0 : i32
    %dma_wait3A_44 = arith.constant 0 : i32
    %dma_wait3A_45 = tpu.memref_slice %arg2[%dma_wait3A_43, %dma_wait3A_44] : memref<100000x64xf32, #tpu.memory_space<hbm>> -> memref<100000x64xf32, #tpu.memory_space<hbm>>
    tpu.wait_indirect_dma semaphore(%arg18 : memref<!tpu.dma_semaphore, #tpu.memory_space<semaphore_mem>>) src(%dma_wait3A_45 : memref<100000x64xf32, #tpu.memory_space<hbm>>) dst(%arg16 : memref<128x64xf32, #tpu.memory_space<vmem>>)
    "tpu.region"() ({
      %run_scoped3A = tpu.sem_alloc : memref<!tpu.dma_semaphore, #tpu.memory_space<semaphore_mem>>
      %dma_start3A_46 = arith.constant 0 : i32
      %dma_start3A_47 = tpu.memref_slice %arg9[%mul3A_19, %dma_start3A_46] : memref<4096x64xf32, #tpu.memory_space<hbm>> -> memref<128x64xf32, #tpu.memory_space<hbm>>
      %dma_start3A_48 = arith.constant 0 : i32
      %dma_start3A_49 = tpu.memref_slice %arg9[%mul3A_19, %dma_start3A_48] : memref<4096x64xf32, #tpu.memory_space<hbm>> -> memref<128x64xf32, #tpu.memory_space<hbm>>
      tpu.enqueue_dma source(%arg16 : memref<128x64xf32, #tpu.memory_space<vmem>>) target(%dma_start3A_49 : memref<128x64xf32, #tpu.memory_space<hbm>>) target_semaphore(%run_scoped3A : memref<!tpu.dma_semaphore, #tpu.memory_space<semaphore_mem>>)
      %dma_wait3A_50 = arith.constant 0 : i32
      %dma_wait3A_51 = tpu.memref_slice %arg9[%mul3A_19, %dma_wait3A_50] : memref<4096x64xf32, #tpu.memory_space<hbm>> -> memref<128x64xf32, #tpu.memory_space<hbm>>
      %dma_wait3A_52 = arith.constant 0 : i32
      %dma_wait3A_53 = tpu.memref_slice %arg9[%mul3A_19, %dma_wait3A_52] : memref<4096x64xf32, #tpu.memory_space<hbm>> -> memref<128x64xf32, #tpu.memory_space<hbm>>
      tpu.wait_dma2 semaphore(%run_scoped3A : memref<!tpu.dma_semaphore, #tpu.memory_space<semaphore_mem>>) src(%arg16 : memref<128x64xf32, #tpu.memory_space<vmem>>) dst(%dma_wait3A_53 : memref<128x64xf32, #tpu.memory_space<hbm>>)
      tpu.yield
    }) : () -> ()
    return
  }
}

module attributes {stable_mosaic.version = 14 : i64} {
  func.func @_tc_body(%arg0: i32, %arg1: memref<16384x128xf32, #tpu.memory_space<vmem>>, %arg2: memref<512x64xf32, #tpu.memory_space<vmem>>, %arg3: memref<512x64xf32, #tpu.memory_space<vmem>>, %arg4: memref<512x1xi32, #tpu.memory_space<vmem>>, %arg5: memref<512x128xf32, #tpu.memory_space<vmem>>, %arg6: memref<512x128xf32, #tpu.memory_space<vmem>>, %arg7: memref<128x64xf32, #tpu.memory_space<vmem>>, %arg8: memref<1x64xf32, #tpu.memory_space<vmem>>, %arg9: memref<128x64xf32, #tpu.memory_space<vmem>>, %arg10: memref<1x64xf32, #tpu.memory_space<vmem>>, %arg11: memref<256x64xf32, #tpu.memory_space<vmem>>, %arg12: memref<1x64xf32, #tpu.memory_space<vmem>>, %arg13: memref<64x16xf32, #tpu.memory_space<vmem>>, %arg14: memref<1x16xf32, #tpu.memory_space<vmem>>, %arg15: memref<1x16xf32, #tpu.memory_space<vmem>>, %arg16: memref<1x1xf32, #tpu.memory_space<vmem>>, %arg17: memref<192x200xf32, #tpu.memory_space<vmem>>, %arg18: memref<1x200xf32, #tpu.memory_space<vmem>>, %arg19: memref<200x80xf32, #tpu.memory_space<vmem>>, %arg20: memref<1x80xf32, #tpu.memory_space<vmem>>, %arg21: memref<80x64xf32, #tpu.memory_space<vmem>>, %arg22: memref<128x200xf32, #tpu.memory_space<vmem>>, %arg23: memref<1x200xf32, #tpu.memory_space<vmem>>, %arg24: memref<200x80xf32, #tpu.memory_space<vmem>>, %arg25: memref<1x80xf32, #tpu.memory_space<vmem>>, %arg26: memref<80x64xf32, #tpu.memory_space<vmem>>, %arg27: memref<512x1xf32, #tpu.memory_space<vmem>>) attributes {dimension_semantics = [#tpu.dimension_semantics<arbitrary>], iteration_bounds = array<i64: 8>, scalar_prefetch = 0 : i64, scratch_operands = 0 : i64, tpu.core_type = #tpu.core_type<tc>, window_params = [{transform_indices = @transform_0, window_bounds = array<i64: 16384, 128>}, {transform_indices = @transform_1, window_bounds = array<i64: 512, 64>}, {transform_indices = @transform_2, window_bounds = array<i64: 512, 64>}, {transform_indices = @transform_3, window_bounds = array<i64: 512, 1>}, {transform_indices = @transform_4, window_bounds = array<i64: 512, 128>}, {transform_indices = @transform_5, window_bounds = array<i64: 512, 128>}, {pipeline_mode = #tpu.pipeline_mode<synchronous>, transform_indices = @transform_6, window_bounds = array<i64: 128, 64>}, {pipeline_mode = #tpu.pipeline_mode<synchronous>, transform_indices = @transform_7, window_bounds = array<i64: 1, 64>}, {pipeline_mode = #tpu.pipeline_mode<synchronous>, transform_indices = @transform_8, window_bounds = array<i64: 128, 64>}, {pipeline_mode = #tpu.pipeline_mode<synchronous>, transform_indices = @transform_9, window_bounds = array<i64: 1, 64>}, {pipeline_mode = #tpu.pipeline_mode<synchronous>, transform_indices = @transform_10, window_bounds = array<i64: 256, 64>}, {pipeline_mode = #tpu.pipeline_mode<synchronous>, transform_indices = @transform_11, window_bounds = array<i64: 1, 64>}, {pipeline_mode = #tpu.pipeline_mode<synchronous>, transform_indices = @transform_12, window_bounds = array<i64: 64, 16>}, {pipeline_mode = #tpu.pipeline_mode<synchronous>, transform_indices = @transform_13, window_bounds = array<i64: 1, 16>}, {pipeline_mode = #tpu.pipeline_mode<synchronous>, transform_indices = @transform_14, window_bounds = array<i64: 1, 16>}, {pipeline_mode = #tpu.pipeline_mode<synchronous>, transform_indices = @transform_15, window_bounds = array<i64: 1, 1>}, {pipeline_mode = #tpu.pipeline_mode<synchronous>, transform_indices = @transform_16, window_bounds = array<i64: 192, 200>}, {pipeline_mode = #tpu.pipeline_mode<synchronous>, transform_indices = @transform_17, window_bounds = array<i64: 1, 200>}, {pipeline_mode = #tpu.pipeline_mode<synchronous>, transform_indices = @transform_18, window_bounds = array<i64: 200, 80>}, {pipeline_mode = #tpu.pipeline_mode<synchronous>, transform_indices = @transform_19, window_bounds = array<i64: 1, 80>}, {pipeline_mode = #tpu.pipeline_mode<synchronous>, transform_indices = @transform_20, window_bounds = array<i64: 80, 64>}, {pipeline_mode = #tpu.pipeline_mode<synchronous>, transform_indices = @transform_21, window_bounds = array<i64: 128, 200>}, {pipeline_mode = #tpu.pipeline_mode<synchronous>, transform_indices = @transform_22, window_bounds = array<i64: 1, 200>}, {pipeline_mode = #tpu.pipeline_mode<synchronous>, transform_indices = @transform_23, window_bounds = array<i64: 200, 80>}, {pipeline_mode = #tpu.pipeline_mode<synchronous>, transform_indices = @transform_24, window_bounds = array<i64: 1, 80>}, {pipeline_mode = #tpu.pipeline_mode<synchronous>, transform_indices = @transform_25, window_bounds = array<i64: 80, 64>}, {transform_indices = @transform_26, window_bounds = array<i64: 512, 1>}]} {
    %get3A = arith.constant 0 : index
    %get3A_0 = arith.constant 0 : index
    %get3A_1 = vector.load %arg2[%get3A, %get3A_0] : memref<512x64xf32, #tpu.memory_space<vmem>>, vector<512x64xf32>
    %get3A_2 = arith.constant 0 : index
    %get3A_3 = arith.constant 0 : index
    %get3A_4 = vector.load %arg1[%get3A_2, %get3A_3] : memref<16384x128xf32, #tpu.memory_space<vmem>>, vector<16384x128xf32>
    %get3A_5 = arith.constant 0 : index
    %get3A_6 = arith.constant 0 : index
    %get3A_7 = vector.load %arg11[%get3A_5, %get3A_6] : memref<256x64xf32, #tpu.memory_space<vmem>>, vector<256x64xf32>
    %slice3A = vector.extract_strided_slice %get3A_7 {offsets = [0, 0], sizes = [64, 64], strides = [1, 1]} : vector<256x64xf32> to vector<64x64xf32>
    %slice3A_8 = vector.extract_strided_slice %get3A_7 {offsets = [64, 0], sizes = [64, 64], strides = [1, 1]} : vector<256x64xf32> to vector<64x64xf32>
    %slice3A_9 = vector.extract_strided_slice %get3A_7 {offsets = [128, 0], sizes = [64, 64], strides = [1, 1]} : vector<256x64xf32> to vector<64x64xf32>
    %slice3A_10 = vector.extract_strided_slice %get3A_7 {offsets = [192, 0], sizes = [64, 64], strides = [1, 1]} : vector<256x64xf32> to vector<64x64xf32>
    %broadcast_in_dim3A = arith.constant 0.000000e+00 : f32
    %broadcast_in_dim3A_11 = vector.broadcast %broadcast_in_dim3A : f32 to vector<64x64xf32>
    %sub3A = arith.subf %slice3A_8, %slice3A_9 : vector<64x64xf32>
    %concatenate3A = tpu.concatenate %sub3A, %broadcast_in_dim3A_11 in 1 : vector<64x64xf32>, vector<64x64xf32> -> vector<64x128xf32>
    %concatenate3A_12 = tpu.concatenate %broadcast_in_dim3A_11, %sub3A in 1 : vector<64x64xf32>, vector<64x64xf32> -> vector<64x128xf32>
    %concatenate3A_13 = tpu.concatenate %concatenate3A, %concatenate3A_12 in 0 : vector<64x128xf32>, vector<64x128xf32> -> vector<128x128xf32>
    %concatenate3A_14 = tpu.concatenate %slice3A_10, %broadcast_in_dim3A_11 in 1 : vector<64x64xf32>, vector<64x64xf32> -> vector<64x128xf32>
    %concatenate3A_15 = tpu.concatenate %broadcast_in_dim3A_11, %slice3A_10 in 1 : vector<64x64xf32>, vector<64x64xf32> -> vector<64x128xf32>
    %concatenate3A_16 = tpu.concatenate %concatenate3A_14, %concatenate3A_15 in 0 : vector<64x128xf32>, vector<64x128xf32> -> vector<128x128xf32>
    %concatenate3A_17 = tpu.concatenate %get3A_1, %get3A_1 in 1 : vector<512x64xf32>, vector<512x64xf32> -> vector<512x128xf32>
    %reshape3A = vector.shape_cast %get3A_4 : vector<16384x128xf32> to vector<512x32x128xf32>
    %broadcast_in_dim3A_18 = vector.shape_cast %concatenate3A_17 : vector<512x128xf32> to vector<512x1x128xf32>
    %mul3A = vector.broadcast %broadcast_in_dim3A_18 : vector<512x1x128xf32> to vector<512x32x128xf32>
    %mul3A_19 = arith.mulf %reshape3A, %mul3A : vector<512x32x128xf32>
    %dot_general3A = arith.constant dense<0.000000e+00> : vector<16384x128xf32>
    %dot_general3A_20 = tpu.matmul %get3A_4, %concatenate3A_13, %dot_general3A {dimension_numbers = #tpu.dot_dimension_numbers<[1], [0], [0], [1], [0, 0, 1, 1], [], []>, transpose_lhs_hint = false} : vector<16384x128xf32>, vector<128x128xf32>, vector<16384x128xf32> -> vector<16384x128xf32>
    %reshape3A_21 = vector.shape_cast %mul3A_19 : vector<512x32x128xf32> to vector<16384x128xf32>
    %dot_general3A_22 = arith.constant dense<0.000000e+00> : vector<16384x128xf32>
    %dot_general3A_23 = tpu.matmul %reshape3A_21, %concatenate3A_16, %dot_general3A_22 {dimension_numbers = #tpu.dot_dimension_numbers<[1], [0], [0], [1], [0, 0, 1, 1], [], []>, transpose_lhs_hint = false} : vector<16384x128xf32>, vector<128x128xf32>, vector<16384x128xf32> -> vector<16384x128xf32>
    %add3A = arith.addf %dot_general3A_20, %dot_general3A_23 : vector<16384x128xf32>
    %add3A_24 = arith.addf %slice3A, %slice3A_9 : vector<64x64xf32>
    %dot_general3A_25 = arith.constant dense<0.000000e+00> : vector<512x64xf32>
    %dot_general3A_26 = tpu.matmul %get3A_1, %add3A_24, %dot_general3A_25 {dimension_numbers = #tpu.dot_dimension_numbers<[1], [0], [0], [1], [0, 0, 1, 1], [], []>, transpose_lhs_hint = false} : vector<512x64xf32>, vector<64x64xf32>, vector<512x64xf32> -> vector<512x64xf32>
    %get3A_27 = arith.constant 0 : index
    %get3A_28 = arith.constant 0 : index
    %get3A_29 = vector.load %arg12[%get3A_27, %get3A_28] : memref<1x64xf32, #tpu.memory_space<vmem>>, vector<1x64xf32>
    %add3A_30 = vector.broadcast %get3A_29 : vector<1x64xf32> to vector<512x64xf32>
    %add3A_31 = arith.addf %dot_general3A_26, %add3A_30 : vector<512x64xf32>
    %concatenate3A_32 = tpu.concatenate %add3A_31, %add3A_31 in 1 : vector<512x64xf32>, vector<512x64xf32> -> vector<512x128xf32>
    %reshape3A_33 = vector.shape_cast %add3A : vector<16384x128xf32> to vector<512x32x128xf32>
    %broadcast_in_dim3A_34 = vector.shape_cast %concatenate3A_32 : vector<512x128xf32> to vector<512x1x128xf32>
    %add3A_35 = vector.broadcast %broadcast_in_dim3A_34 : vector<512x1x128xf32> to vector<512x32x128xf32>
    %add3A_36 = arith.addf %reshape3A_33, %add3A_35 : vector<512x32x128xf32>
    %logistic3A = arith.negf %add3A_36 : vector<512x32x128xf32>
    %logistic3A_37 = math.exp %logistic3A : vector<512x32x128xf32>
    %logistic3A_38 = arith.constant 1.000000e+00 : f32
    %logistic3A_39 = vector.broadcast %logistic3A_38 : f32 to vector<512x32x128xf32>
    %logistic3A_40 = arith.addf %logistic3A_39, %logistic3A_37 : vector<512x32x128xf32>
    %logistic3A_41 = arith.divf %logistic3A_39, %logistic3A_40 : vector<512x32x128xf32>
    %get3A_42 = arith.constant 0 : index
    %get3A_43 = arith.constant 0 : index
    %get3A_44 = vector.load %arg13[%get3A_42, %get3A_43] : memref<64x16xf32, #tpu.memory_space<vmem>>, vector<64x16xf32>
    %broadcast_in_dim3A_45 = arith.constant 0.000000e+00 : f32
    %broadcast_in_dim3A_46 = vector.broadcast %broadcast_in_dim3A_45 : f32 to vector<64x16xf32>
    %concatenate3A_47 = tpu.concatenate %get3A_44, %broadcast_in_dim3A_46 in 1 : vector<64x16xf32>, vector<64x16xf32> -> vector<64x32xf32>
    %concatenate3A_48 = tpu.concatenate %broadcast_in_dim3A_46, %get3A_44 in 1 : vector<64x16xf32>, vector<64x16xf32> -> vector<64x32xf32>
    %concatenate3A_49 = tpu.concatenate %concatenate3A_47, %concatenate3A_48 in 0 : vector<64x32xf32>, vector<64x32xf32> -> vector<128x32xf32>
    %get3A_50 = arith.constant 0 : index
    %get3A_51 = arith.constant 0 : index
    %get3A_52 = vector.load %arg14[%get3A_50, %get3A_51] : memref<1x16xf32, #tpu.memory_space<vmem>>, vector<1x16xf32>
    %concatenate3A_53 = tpu.concatenate %get3A_52, %get3A_52 in 1 : vector<1x16xf32>, vector<1x16xf32> -> vector<1x32xf32>
    %reshape3A_54 = vector.shape_cast %logistic3A_41 : vector<512x32x128xf32> to vector<16384x128xf32>
    %dot_general3A_55 = arith.constant dense<0.000000e+00> : vector<16384x32xf32>
    %dot_general3A_56 = tpu.matmul %reshape3A_54, %concatenate3A_49, %dot_general3A_55 {dimension_numbers = #tpu.dot_dimension_numbers<[1], [0], [0], [1], [0, 0, 1, 1], [], []>, transpose_lhs_hint = false} : vector<16384x128xf32>, vector<128x32xf32>, vector<16384x32xf32> -> vector<16384x32xf32>
    %add3A_57 = vector.broadcast %concatenate3A_53 : vector<1x32xf32> to vector<16384x32xf32>
    %add3A_58 = arith.addf %dot_general3A_56, %add3A_57 : vector<16384x32xf32>
    %logistic3A_59 = arith.negf %add3A_58 : vector<16384x32xf32>
    %logistic3A_60 = math.exp %logistic3A_59 : vector<16384x32xf32>
    %logistic3A_61 = arith.constant 1.000000e+00 : f32
    %logistic3A_62 = vector.broadcast %logistic3A_61 : f32 to vector<16384x32xf32>
    %logistic3A_63 = arith.addf %logistic3A_62, %logistic3A_60 : vector<16384x32xf32>
    %logistic3A_64 = arith.divf %logistic3A_62, %logistic3A_63 : vector<16384x32xf32>
    %reshape3A_65 = vector.shape_cast %logistic3A_64 : vector<16384x32xf32> to vector<512x32x32xf32>
    %get3A_66 = arith.constant 0 : index
    %get3A_67 = arith.constant 0 : index
    %get3A_68 = vector.load %arg15[%get3A_66, %get3A_67] : memref<1x16xf32, #tpu.memory_space<vmem>>, vector<1x16xf32>
    %broadcast_in_dim3A_69 = arith.constant 0.000000e+00 : f32
    %broadcast_in_dim3A_70 = vector.broadcast %broadcast_in_dim3A_69 : f32 to vector<1x16xf32>
    %concatenate3A_71 = tpu.concatenate %get3A_68, %broadcast_in_dim3A_70 in 1 : vector<1x16xf32>, vector<1x16xf32> -> vector<1x32xf32>
    %broadcast_in_dim3A_72 = vector.shape_cast %concatenate3A_71 : vector<1x32xf32> to vector<1x1x32xf32>
    %concatenate3A_73 = tpu.concatenate %broadcast_in_dim3A_70, %get3A_68 in 1 : vector<1x16xf32>, vector<1x16xf32> -> vector<1x32xf32>
    %broadcast_in_dim3A_74 = vector.shape_cast %concatenate3A_73 : vector<1x32xf32> to vector<1x1x32xf32>
    %mul3A_75 = vector.broadcast %broadcast_in_dim3A_72 : vector<1x1x32xf32> to vector<512x32x32xf32>
    %mul3A_76 = arith.mulf %reshape3A_65, %mul3A_75 : vector<512x32x32xf32>
    %reduce_sum3A = arith.constant dense<0.000000e+00> : vector<512x32xf32>
    %reduce_sum3A_77 = vector.multi_reduction <add>, %mul3A_76, %reduce_sum3A [2] : vector<512x32x32xf32> to vector<512x32xf32>
    %mul3A_78 = vector.broadcast %broadcast_in_dim3A_74 : vector<1x1x32xf32> to vector<512x32x32xf32>
    %mul3A_79 = arith.mulf %reshape3A_65, %mul3A_78 : vector<512x32x32xf32>
    %reduce_sum3A_80 = arith.constant dense<0.000000e+00> : vector<512x32xf32>
    %reduce_sum3A_81 = vector.multi_reduction <add>, %mul3A_79, %reduce_sum3A_80 [2] : vector<512x32x32xf32> to vector<512x32xf32>
    %concatenate3A_82 = tpu.concatenate %reduce_sum3A_77, %reduce_sum3A_81 in 1 : vector<512x32xf32>, vector<512x32xf32> -> vector<512x64xf32>
    %get3A_83 = arith.constant 0 : index
    %get3A_84 = arith.constant 0 : index
    %get3A_85 = vector.load %arg16[%get3A_83, %get3A_84] : memref<1x1xf32, #tpu.memory_space<vmem>>, vector<1x1xf32>
    %get3A_86 = vector.extract %get3A_85[0, 0] : f32 from vector<1x1xf32>
    %add3A_87 = vector.broadcast %get3A_86 : f32 to vector<512x64xf32>
    %add3A_88 = arith.addf %concatenate3A_82, %add3A_87 : vector<512x64xf32>
    %get3A_89 = arith.constant 0 : index
    %get3A_90 = arith.constant 0 : index
    %get3A_91 = vector.load %arg4[%get3A_89, %get3A_90] : memref<512x1xi32, #tpu.memory_space<vmem>>, vector<512x1xi32>
    %iota3A = tpu.iota {dimensions = array<i32: 1>} : vector<512x64xi32>
    %lt3A = vector.broadcast %get3A_91 : vector<512x1xi32> to vector<512x64xi32>
    %lt3A_92 = arith.cmpi slt, %iota3A, %lt3A : vector<512x64xi32>
    %lt3A_93 = arith.constant 50 : i32
    %lt3A_94 = vector.broadcast %lt3A_93 : i32 to vector<512x64xi32>
    %lt3A_95 = arith.cmpi slt, %iota3A, %lt3A_94 : vector<512x64xi32>
    %jit3A = arith.constant -1.000000e+09 : f32
    %jit3A_96 = arith.constant -2.000000e+09 : f32
    %broadcast_in_dim3A_97 = vector.broadcast %jit3A : f32 to vector<512x64xf32>
    %broadcast_in_dim3A_98 = vector.broadcast %jit3A_96 : f32 to vector<512x64xf32>
    %select_n3A = arith.select %lt3A_95, %broadcast_in_dim3A_97, %broadcast_in_dim3A_98 : vector<512x64xi1>, vector<512x64xf32>
    %select_n3A_99 = arith.select %lt3A_92, %add3A_88, %select_n3A : vector<512x64xi1>, vector<512x64xf32>
    %reduce_max3A = arith.constant dense<0xFF800000> : vector<512xf32>
    %reduce_max3A_100 = vector.multi_reduction <maximumf>, %select_n3A_99, %reduce_max3A [1] : vector<512x64xf32> to vector<512xf32>
    %broadcast_in_dim3A_101 = vector.shape_cast %reduce_max3A_100 : vector<512xf32> to vector<512x1xf32>
    %sub3A_102 = vector.broadcast %broadcast_in_dim3A_101 : vector<512x1xf32> to vector<512x64xf32>
    %sub3A_103 = arith.subf %select_n3A_99, %sub3A_102 : vector<512x64xf32>
    %exp3A = math.exp %sub3A_103 : vector<512x64xf32>
    %reduce_sum3A_104 = arith.constant dense<0.000000e+00> : vector<512xf32>
    %reduce_sum3A_105 = vector.multi_reduction <add>, %exp3A, %reduce_sum3A_104 [1] : vector<512x64xf32> to vector<512xf32>
    %broadcast_in_dim3A_106 = vector.shape_cast %reduce_sum3A_105 : vector<512xf32> to vector<512x1xf32>
    %div3A = vector.broadcast %broadcast_in_dim3A_106 : vector<512x1xf32> to vector<512x64xf32>
    %div3A_107 = arith.divf %exp3A, %div3A : vector<512x64xf32>
    %slice3A_108 = vector.extract_strided_slice %div3A_107 {offsets = [0, 0], sizes = [512, 32], strides = [1, 1]} : vector<512x64xf32> to vector<512x32xf32>
    %broadcast_in_dim3A_109 = vector.shape_cast %slice3A_108 : vector<512x32xf32> to vector<512x32x1xf32>
    %slice3A_110 = vector.extract_strided_slice %div3A_107 {offsets = [0, 32], sizes = [512, 32], strides = [1, 1]} : vector<512x64xf32> to vector<512x32xf32>
    %broadcast_in_dim3A_111 = vector.shape_cast %slice3A_110 : vector<512x32xf32> to vector<512x32x1xf32>
    %broadcast_in_dim3A_112 = vector.shape_cast %broadcast_in_dim3A_109 : vector<512x32x1xf32> to vector<512x32x1xf32>
    %broadcast_in_dim3A_113 = vector.broadcast %broadcast_in_dim3A_112 : vector<512x32x1xf32> to vector<512x32x64xf32>
    %broadcast_in_dim3A_114 = vector.shape_cast %broadcast_in_dim3A_111 : vector<512x32x1xf32> to vector<512x32x1xf32>
    %broadcast_in_dim3A_115 = vector.broadcast %broadcast_in_dim3A_114 : vector<512x32x1xf32> to vector<512x32x64xf32>
    %concatenate3A_116 = tpu.concatenate %broadcast_in_dim3A_113, %broadcast_in_dim3A_115 in 2 : vector<512x32x64xf32>, vector<512x32x64xf32> -> vector<512x32x128xf32>
    %mul3A_117 = arith.mulf %reshape3A, %concatenate3A_116 : vector<512x32x128xf32>
    %reduce_sum3A_118 = arith.constant dense<0.000000e+00> : vector<512x128xf32>
    %reduce_sum3A_119 = vector.multi_reduction <add>, %mul3A_117, %reduce_sum3A_118 [1] : vector<512x32x128xf32> to vector<512x128xf32>
    %slice3A_120 = vector.extract_strided_slice %reduce_sum3A_119 {offsets = [0, 0], sizes = [512, 64], strides = [1, 1]} : vector<512x128xf32> to vector<512x64xf32>
    %slice3A_121 = vector.extract_strided_slice %reduce_sum3A_119 {offsets = [0, 64], sizes = [512, 64], strides = [1, 1]} : vector<512x128xf32> to vector<512x64xf32>
    %add3A_122 = arith.addf %slice3A_120, %slice3A_121 : vector<512x64xf32>
    %get3A_123 = arith.constant 0 : index
    %get3A_124 = arith.constant 0 : index
    %get3A_125 = vector.load %arg5[%get3A_123, %get3A_124] : memref<512x128xf32, #tpu.memory_space<vmem>>, vector<512x128xf32>
    %get3A_126 = arith.constant 0 : index
    %get3A_127 = arith.constant 0 : index
    %get3A_128 = vector.load %arg7[%get3A_126, %get3A_127] : memref<128x64xf32, #tpu.memory_space<vmem>>, vector<128x64xf32>
    %dot_general3A_129 = arith.constant dense<0.000000e+00> : vector<512x64xf32>
    %dot_general3A_130 = tpu.matmul %get3A_125, %get3A_128, %dot_general3A_129 {dimension_numbers = #tpu.dot_dimension_numbers<[1], [0], [0], [1], [0, 0, 1, 1], [], []>, transpose_lhs_hint = false} : vector<512x128xf32>, vector<128x64xf32>, vector<512x64xf32> -> vector<512x64xf32>
    %get3A_131 = arith.constant 0 : index
    %get3A_132 = arith.constant 0 : index
    %get3A_133 = vector.load %arg8[%get3A_131, %get3A_132] : memref<1x64xf32, #tpu.memory_space<vmem>>, vector<1x64xf32>
    %add3A_134 = vector.broadcast %get3A_133 : vector<1x64xf32> to vector<512x64xf32>
    %add3A_135 = arith.addf %dot_general3A_130, %add3A_134 : vector<512x64xf32>
    %logistic3A_136 = arith.negf %add3A_135 : vector<512x64xf32>
    %logistic3A_137 = math.exp %logistic3A_136 : vector<512x64xf32>
    %logistic3A_138 = arith.constant 1.000000e+00 : f32
    %logistic3A_139 = vector.broadcast %logistic3A_138 : f32 to vector<512x64xf32>
    %logistic3A_140 = arith.addf %logistic3A_139, %logistic3A_137 : vector<512x64xf32>
    %logistic3A_141 = arith.divf %logistic3A_139, %logistic3A_140 : vector<512x64xf32>
    %get3A_142 = arith.constant 0 : index
    %get3A_143 = arith.constant 0 : index
    %get3A_144 = vector.load %arg6[%get3A_142, %get3A_143] : memref<512x128xf32, #tpu.memory_space<vmem>>, vector<512x128xf32>
    %get3A_145 = arith.constant 0 : index
    %get3A_146 = arith.constant 0 : index
    %get3A_147 = vector.load %arg9[%get3A_145, %get3A_146] : memref<128x64xf32, #tpu.memory_space<vmem>>, vector<128x64xf32>
    %dot_general3A_148 = arith.constant dense<0.000000e+00> : vector<512x64xf32>
    %dot_general3A_149 = tpu.matmul %get3A_144, %get3A_147, %dot_general3A_148 {dimension_numbers = #tpu.dot_dimension_numbers<[1], [0], [0], [1], [0, 0, 1, 1], [], []>, transpose_lhs_hint = false} : vector<512x128xf32>, vector<128x64xf32>, vector<512x64xf32> -> vector<512x64xf32>
    %get3A_150 = arith.constant 0 : index
    %get3A_151 = arith.constant 0 : index
    %get3A_152 = vector.load %arg10[%get3A_150, %get3A_151] : memref<1x64xf32, #tpu.memory_space<vmem>>, vector<1x64xf32>
    %add3A_153 = vector.broadcast %get3A_152 : vector<1x64xf32> to vector<512x64xf32>
    %add3A_154 = arith.addf %dot_general3A_149, %add3A_153 : vector<512x64xf32>
    %logistic3A_155 = arith.negf %add3A_154 : vector<512x64xf32>
    %logistic3A_156 = math.exp %logistic3A_155 : vector<512x64xf32>
    %logistic3A_157 = arith.constant 1.000000e+00 : f32
    %logistic3A_158 = vector.broadcast %logistic3A_157 : f32 to vector<512x64xf32>
    %logistic3A_159 = arith.addf %logistic3A_158, %logistic3A_156 : vector<512x64xf32>
    %logistic3A_160 = arith.divf %logistic3A_158, %logistic3A_159 : vector<512x64xf32>
    %get3A_161 = arith.constant 0 : index
    %get3A_162 = arith.constant 0 : index
    %get3A_163 = vector.load %arg3[%get3A_161, %get3A_162] : memref<512x64xf32, #tpu.memory_space<vmem>>, vector<512x64xf32>
    %concatenate3A_164 = tpu.concatenate %get3A_163, %add3A_122, %logistic3A_141 in 1 : vector<512x64xf32>, vector<512x64xf32>, vector<512x64xf32> -> vector<512x192xf32>
    %get3A_165 = arith.constant 0 : index
    %get3A_166 = arith.constant 0 : index
    %get3A_167 = vector.load %arg17[%get3A_165, %get3A_166] : memref<192x200xf32, #tpu.memory_space<vmem>>, vector<192x200xf32>
    %dot_general3A_168 = arith.constant dense<0.000000e+00> : vector<512x200xf32>
    %dot_general3A_169 = tpu.matmul %concatenate3A_164, %get3A_167, %dot_general3A_168 {dimension_numbers = #tpu.dot_dimension_numbers<[1], [0], [0], [1], [0, 0, 1, 1], [], []>, transpose_lhs_hint = false} : vector<512x192xf32>, vector<192x200xf32>, vector<512x200xf32> -> vector<512x200xf32>
    %get3A_170 = arith.constant 0 : index
    %get3A_171 = arith.constant 0 : index
    %get3A_172 = vector.load %arg18[%get3A_170, %get3A_171] : memref<1x200xf32, #tpu.memory_space<vmem>>, vector<1x200xf32>
    %add3A_173 = vector.broadcast %get3A_172 : vector<1x200xf32> to vector<512x200xf32>
    %add3A_174 = arith.addf %dot_general3A_169, %add3A_173 : vector<512x200xf32>
    %max3A = arith.constant 0.000000e+00 : f32
    %max3A_175 = vector.broadcast %max3A : f32 to vector<512x200xf32>
    %max3A_176 = arith.maximumf %add3A_174, %max3A_175 : vector<512x200xf32>
    %get3A_177 = arith.constant 0 : index
    %get3A_178 = arith.constant 0 : index
    %get3A_179 = vector.load %arg19[%get3A_177, %get3A_178] : memref<200x80xf32, #tpu.memory_space<vmem>>, vector<200x80xf32>
    %dot_general3A_180 = arith.constant dense<0.000000e+00> : vector<512x80xf32>
    %dot_general3A_181 = tpu.matmul %max3A_176, %get3A_179, %dot_general3A_180 {dimension_numbers = #tpu.dot_dimension_numbers<[1], [0], [0], [1], [0, 0, 1, 1], [], []>, transpose_lhs_hint = false} : vector<512x200xf32>, vector<200x80xf32>, vector<512x80xf32> -> vector<512x80xf32>
    %get3A_182 = arith.constant 0 : index
    %get3A_183 = arith.constant 0 : index
    %get3A_184 = vector.load %arg20[%get3A_182, %get3A_183] : memref<1x80xf32, #tpu.memory_space<vmem>>, vector<1x80xf32>
    %add3A_185 = vector.broadcast %get3A_184 : vector<1x80xf32> to vector<512x80xf32>
    %add3A_186 = arith.addf %dot_general3A_181, %add3A_185 : vector<512x80xf32>
    %max3A_187 = arith.constant 0.000000e+00 : f32
    %max3A_188 = vector.broadcast %max3A_187 : f32 to vector<512x80xf32>
    %max3A_189 = arith.maximumf %add3A_186, %max3A_188 : vector<512x80xf32>
    %get3A_190 = arith.constant 0 : index
    %get3A_191 = arith.constant 0 : index
    %get3A_192 = vector.load %arg21[%get3A_190, %get3A_191] : memref<80x64xf32, #tpu.memory_space<vmem>>, vector<80x64xf32>
    %dot_general3A_193 = arith.constant dense<0.000000e+00> : vector<512x64xf32>
    %dot_general3A_194 = tpu.matmul %max3A_189, %get3A_192, %dot_general3A_193 {dimension_numbers = #tpu.dot_dimension_numbers<[1], [0], [0], [1], [0, 0, 1, 1], [], []>, transpose_lhs_hint = false} : vector<512x80xf32>, vector<80x64xf32>, vector<512x64xf32> -> vector<512x64xf32>
    %max3A_195 = arith.constant 0.000000e+00 : f32
    %max3A_196 = vector.broadcast %max3A_195 : f32 to vector<512x64xf32>
    %max3A_197 = arith.maximumf %dot_general3A_194, %max3A_196 : vector<512x64xf32>
    %concatenate3A_198 = tpu.concatenate %get3A_1, %logistic3A_160 in 1 : vector<512x64xf32>, vector<512x64xf32> -> vector<512x128xf32>
    %get3A_199 = arith.constant 0 : index
    %get3A_200 = arith.constant 0 : index
    %get3A_201 = vector.load %arg22[%get3A_199, %get3A_200] : memref<128x200xf32, #tpu.memory_space<vmem>>, vector<128x200xf32>
    %dot_general3A_202 = arith.constant dense<0.000000e+00> : vector<512x200xf32>
    %dot_general3A_203 = tpu.matmul %concatenate3A_198, %get3A_201, %dot_general3A_202 {dimension_numbers = #tpu.dot_dimension_numbers<[1], [0], [0], [1], [0, 0, 1, 1], [], []>, transpose_lhs_hint = false} : vector<512x128xf32>, vector<128x200xf32>, vector<512x200xf32> -> vector<512x200xf32>
    %get3A_204 = arith.constant 0 : index
    %get3A_205 = arith.constant 0 : index
    %get3A_206 = vector.load %arg23[%get3A_204, %get3A_205] : memref<1x200xf32, #tpu.memory_space<vmem>>, vector<1x200xf32>
    %add3A_207 = vector.broadcast %get3A_206 : vector<1x200xf32> to vector<512x200xf32>
    %add3A_208 = arith.addf %dot_general3A_203, %add3A_207 : vector<512x200xf32>
    %max3A_209 = arith.constant 0.000000e+00 : f32
    %max3A_210 = vector.broadcast %max3A_209 : f32 to vector<512x200xf32>
    %max3A_211 = arith.maximumf %add3A_208, %max3A_210 : vector<512x200xf32>
    %get3A_212 = arith.constant 0 : index
    %get3A_213 = arith.constant 0 : index
    %get3A_214 = vector.load %arg24[%get3A_212, %get3A_213] : memref<200x80xf32, #tpu.memory_space<vmem>>, vector<200x80xf32>
    %dot_general3A_215 = arith.constant dense<0.000000e+00> : vector<512x80xf32>
    %dot_general3A_216 = tpu.matmul %max3A_211, %get3A_214, %dot_general3A_215 {dimension_numbers = #tpu.dot_dimension_numbers<[1], [0], [0], [1], [0, 0, 1, 1], [], []>, transpose_lhs_hint = false} : vector<512x200xf32>, vector<200x80xf32>, vector<512x80xf32> -> vector<512x80xf32>
    %get3A_217 = arith.constant 0 : index
    %get3A_218 = arith.constant 0 : index
    %get3A_219 = vector.load %arg25[%get3A_217, %get3A_218] : memref<1x80xf32, #tpu.memory_space<vmem>>, vector<1x80xf32>
    %add3A_220 = vector.broadcast %get3A_219 : vector<1x80xf32> to vector<512x80xf32>
    %add3A_221 = arith.addf %dot_general3A_216, %add3A_220 : vector<512x80xf32>
    %max3A_222 = arith.constant 0.000000e+00 : f32
    %max3A_223 = vector.broadcast %max3A_222 : f32 to vector<512x80xf32>
    %max3A_224 = arith.maximumf %add3A_221, %max3A_223 : vector<512x80xf32>
    %get3A_225 = arith.constant 0 : index
    %get3A_226 = arith.constant 0 : index
    %get3A_227 = vector.load %arg26[%get3A_225, %get3A_226] : memref<80x64xf32, #tpu.memory_space<vmem>>, vector<80x64xf32>
    %dot_general3A_228 = arith.constant dense<0.000000e+00> : vector<512x64xf32>
    %dot_general3A_229 = tpu.matmul %max3A_224, %get3A_227, %dot_general3A_228 {dimension_numbers = #tpu.dot_dimension_numbers<[1], [0], [0], [1], [0, 0, 1, 1], [], []>, transpose_lhs_hint = false} : vector<512x80xf32>, vector<80x64xf32>, vector<512x64xf32> -> vector<512x64xf32>
    %max3A_230 = arith.constant 0.000000e+00 : f32
    %max3A_231 = vector.broadcast %max3A_230 : f32 to vector<512x64xf32>
    %max3A_232 = arith.maximumf %dot_general3A_229, %max3A_231 : vector<512x64xf32>
    %mul3A_233 = arith.mulf %max3A_197, %max3A_232 : vector<512x64xf32>
    %reduce_sum3A_234 = arith.constant dense<0.000000e+00> : vector<512xf32>
    %reduce_sum3A_235 = vector.multi_reduction <add>, %mul3A_233, %reduce_sum3A_234 [1] : vector<512x64xf32> to vector<512xf32>
    %broadcast_in_dim3A_236 = vector.shape_cast %reduce_sum3A_235 : vector<512xf32> to vector<512x1xf32>
    %swap3A = arith.constant 0 : index
    %swap3A_237 = arith.constant 0 : index
    %swap3A_238 = vector.load %arg27[%swap3A, %swap3A_237] : memref<512x1xf32, #tpu.memory_space<vmem>>, vector<512x1xf32>
    tpu.vector_store %arg27[%swap3A, %swap3A_237], %broadcast_in_dim3A_236 {strides = array<i32>} : memref<512x1xf32, #tpu.memory_space<vmem>>, vector<512x1xf32>,
    return
  }
  func.func @transform_0(%arg0: i32) -> (i32, i32) {
    %c0_i32 = arith.constant 0 : i32
    %c0_i32_0 = arith.constant 0 : i32
    return %arg0, %c0_i32 : i32, i32
  }
  func.func @transform_1(%arg0: i32) -> (i32, i32) {
    %c0_i32 = arith.constant 0 : i32
    %c0_i32_0 = arith.constant 0 : i32
    return %arg0, %c0_i32 : i32, i32
  }
  func.func @transform_2(%arg0: i32) -> (i32, i32) {
    %c0_i32 = arith.constant 0 : i32
    %c0_i32_0 = arith.constant 0 : i32
    return %arg0, %c0_i32 : i32, i32
  }
  func.func @transform_3(%arg0: i32) -> (i32, i32) {
    %c0_i32 = arith.constant 0 : i32
    %c0_i32_0 = arith.constant 0 : i32
    return %arg0, %c0_i32 : i32, i32
  }
  func.func @transform_4(%arg0: i32) -> (i32, i32) {
    %c0_i32 = arith.constant 0 : i32
    %c0_i32_0 = arith.constant 0 : i32
    return %arg0, %c0_i32 : i32, i32
  }
  func.func @transform_5(%arg0: i32) -> (i32, i32) {
    %c0_i32 = arith.constant 0 : i32
    %c0_i32_0 = arith.constant 0 : i32
    return %arg0, %c0_i32 : i32, i32
  }
  func.func @transform_6(%arg0: i32) -> (i32, i32) {
    %c0_i32 = arith.constant 0 : i32
    %c0_i32_0 = arith.constant 0 : i32
    %c0_i32_1 = arith.constant 0 : i32
    return %c0_i32, %c0_i32_0 : i32, i32
  }
  func.func @transform_7(%arg0: i32) -> (i32, i32) {
    %c0_i32 = arith.constant 0 : i32
    %c0_i32_0 = arith.constant 0 : i32
    %c0_i32_1 = arith.constant 0 : i32
    return %c0_i32, %c0_i32_0 : i32, i32
  }
  func.func @transform_8(%arg0: i32) -> (i32, i32) {
    %c0_i32 = arith.constant 0 : i32
    %c0_i32_0 = arith.constant 0 : i32
    %c0_i32_1 = arith.constant 0 : i32
    return %c0_i32, %c0_i32_0 : i32, i32
  }
  func.func @transform_9(%arg0: i32) -> (i32, i32) {
    %c0_i32 = arith.constant 0 : i32
    %c0_i32_0 = arith.constant 0 : i32
    %c0_i32_1 = arith.constant 0 : i32
    return %c0_i32, %c0_i32_0 : i32, i32
  }
  func.func @transform_10(%arg0: i32) -> (i32, i32) {
    %c0_i32 = arith.constant 0 : i32
    %c0_i32_0 = arith.constant 0 : i32
    %c0_i32_1 = arith.constant 0 : i32
    return %c0_i32, %c0_i32_0 : i32, i32
  }
  func.func @transform_11(%arg0: i32) -> (i32, i32) {
    %c0_i32 = arith.constant 0 : i32
    %c0_i32_0 = arith.constant 0 : i32
    %c0_i32_1 = arith.constant 0 : i32
    return %c0_i32, %c0_i32_0 : i32, i32
  }
  func.func @transform_12(%arg0: i32) -> (i32, i32) {
    %c0_i32 = arith.constant 0 : i32
    %c0_i32_0 = arith.constant 0 : i32
    %c0_i32_1 = arith.constant 0 : i32
    return %c0_i32, %c0_i32_0 : i32, i32
  }
  func.func @transform_13(%arg0: i32) -> (i32, i32) {
    %c0_i32 = arith.constant 0 : i32
    %c0_i32_0 = arith.constant 0 : i32
    %c0_i32_1 = arith.constant 0 : i32
    return %c0_i32, %c0_i32_0 : i32, i32
  }
  func.func @transform_14(%arg0: i32) -> (i32, i32) {
    %c0_i32 = arith.constant 0 : i32
    %c0_i32_0 = arith.constant 0 : i32
    %c0_i32_1 = arith.constant 0 : i32
    return %c0_i32, %c0_i32_0 : i32, i32
  }
  func.func @transform_15(%arg0: i32) -> (i32, i32) {
    %c0_i32 = arith.constant 0 : i32
    %c0_i32_0 = arith.constant 0 : i32
    %c0_i32_1 = arith.constant 0 : i32
    return %c0_i32, %c0_i32_0 : i32, i32
  }
  func.func @transform_16(%arg0: i32) -> (i32, i32) {
    %c0_i32 = arith.constant 0 : i32
    %c0_i32_0 = arith.constant 0 : i32
    %c0_i32_1 = arith.constant 0 : i32
    return %c0_i32, %c0_i32_0 : i32, i32
  }
  func.func @transform_17(%arg0: i32) -> (i32, i32) {
    %c0_i32 = arith.constant 0 : i32
    %c0_i32_0 = arith.constant 0 : i32
    %c0_i32_1 = arith.constant 0 : i32
    return %c0_i32, %c0_i32_0 : i32, i32
  }
  func.func @transform_18(%arg0: i32) -> (i32, i32) {
    %c0_i32 = arith.constant 0 : i32
    %c0_i32_0 = arith.constant 0 : i32
    %c0_i32_1 = arith.constant 0 : i32
    return %c0_i32, %c0_i32_0 : i32, i32
  }
  func.func @transform_19(%arg0: i32) -> (i32, i32) {
    %c0_i32 = arith.constant 0 : i32
    %c0_i32_0 = arith.constant 0 : i32
    %c0_i32_1 = arith.constant 0 : i32
    return %c0_i32, %c0_i32_0 : i32, i32
  }
  func.func @transform_20(%arg0: i32) -> (i32, i32) {
    %c0_i32 = arith.constant 0 : i32
    %c0_i32_0 = arith.constant 0 : i32
    %c0_i32_1 = arith.constant 0 : i32
    return %c0_i32, %c0_i32_0 : i32, i32
  }
  func.func @transform_21(%arg0: i32) -> (i32, i32) {
    %c0_i32 = arith.constant 0 : i32
    %c0_i32_0 = arith.constant 0 : i32
    %c0_i32_1 = arith.constant 0 : i32
    return %c0_i32, %c0_i32_0 : i32, i32
  }
  func.func @transform_22(%arg0: i32) -> (i32, i32) {
    %c0_i32 = arith.constant 0 : i32
    %c0_i32_0 = arith.constant 0 : i32
    %c0_i32_1 = arith.constant 0 : i32
    return %c0_i32, %c0_i32_0 : i32, i32
  }
  func.func @transform_23(%arg0: i32) -> (i32, i32) {
    %c0_i32 = arith.constant 0 : i32
    %c0_i32_0 = arith.constant 0 : i32
    %c0_i32_1 = arith.constant 0 : i32
    return %c0_i32, %c0_i32_0 : i32, i32
  }
  func.func @transform_24(%arg0: i32) -> (i32, i32) {
    %c0_i32 = arith.constant 0 : i32
    %c0_i32_0 = arith.constant 0 : i32
    %c0_i32_1 = arith.constant 0 : i32
    return %c0_i32, %c0_i32_0 : i32, i32
  }
  func.func @transform_25(%arg0: i32) -> (i32, i32) {
    %c0_i32 = arith.constant 0 : i32
    %c0_i32_0 = arith.constant 0 : i32
    %c0_i32_1 = arith.constant 0 : i32
    return %c0_i32, %c0_i32_0 : i32, i32
  }
  func.func @transform_26(%arg0: i32) -> (i32, i32) {
    %c0_i32 = arith.constant 0 : i32
    %c0_i32_0 = arith.constant 0 : i32
    return %arg0, %c0_i32 : i32, i32
  }
}

</mosaic_0001>

<sc_bundles>
// kernel: kernel.4.cloned.1.call-start
scs
__scs_entry_jumppad:
0x0: {  	(pc) =	sbr.rel $0x88, $3  }
0x1: {  	(tag) =	ssettag $0x0;
	lr =	simm.s32 $0x1  }
0x2: {  	[smem:$0x3F85] =	sst lr;
	_ =	strace $0xD0000000  }
0x3: {  	_ = 	snop  }
0x4: {  	_ = 	snop  }
0x5: {  	_ = 	snop  }
0x6: {  	_ = 	snop  }
0x7: {  	_ = 	snop  }
__scs_overlays_trampoline_lowered:
0x8: {  	[smem:$0x3F94] =	sst s0  }
0x9: {  	[smem:$0x3F95] =	sst s1  }
0xa: {  	[smem:$0x3F96] =	sst s2  }
0xb: {  	[smem:$0x3F97] =	sst s3  }
0xc: {  	[smem:$0x3F98] =	sst s4  }
0xd: {  	[smem:$0x3F99] =	sst s5  }
0xe: {  	[smem:$0x3F9A] =	sst s6  }
0xf: {  	[smem:$0x3F9B] =	sst s7  }
0x10: {  	[smem:$0x3F9C] =	sst s8  }
0x11: {  	[smem:$0x3F9D] =	sst s9;
	s0 =	simm.s32 @!p0 $0x0  }
0x12: {  	s1 =	sld [smem:$0x3F83];
	s0 =	simm.s32 @p0 $0x1  }
0x13: {  	[smem:$0x3F9E] =	sst s0;
	s0 =	simm.s32 @!p1 $0x0  }
0x14: {  	s2 =	sld [smem:$0x3F82];
	s0 =	simm.s32 @p1 $0x1  }
0x15: {  	[smem:$0x3F9F] =	sst s0;
	s0 =	simm.s32 @!p2 $0x0  }
0x16: {  	s3 =	sld [smem:$0x3FDB];
	s0 =	simm.s32 @p2 $0x1  }
0x17: {  	s4 =	simm.s32 $0x1BF5;
	[smem:$0x3FA1] =	sst s0  }
0x18: {  	s0 =	sld [smem:$0x3F84];
	_ =	swait.ge [sflag:s4], $0x0  }
0x19: {  	s7 =	sld [smem:$0x3F85]  }
0x1a: {  	s8 =	sadd.s32 $0xFFFFE003, lr  }
0x1b: {  	s9 =	sadd.s32 $0xFFFFFEF7, lr;
	s5 =	simm.s32 $0xFFFFFFFF;
	p2 =	slt.u32 s8, $0xFFFFF086  }
0x1c: {  	p1 =	slt.u32 s9, $0xF7A;
	s5 =	simm.s32 @!p2 $0x0  }
0x1d: {  	s5 =	simm.s32 @p1 $0x1;
	p0 =	seq.s32 s7, s2  }
0x1e: {  	s7 =	smul.u32 @!p0 $0xF7A, s2;
	p2 =	seq.s32 @!p0 s5, $0x0  }
0x1f: {  	s9 =	smul.u32 $0xF7A, s1;
	s8 =	simm.s32 @!p0 $0x1BF5;
	p2 =	por !p2, p0  }
0x20: {  	[sflag:s8] =	ssyncset.s32 @!p0 $0xFFFFF086;
	s6 =	sadd.s32 @!p0 s3, s7;
	s7 =	simm.s32 @!p0 $0x108  }
0x21: {  	s3 =	sadd.s32 s3, s9;
	s6 =	sadd.s32 @!p0 $0x88, s6;
	s7 =	simm.s32 @p2 $0x1082  }
0x22: {  	[simem:s7], [sflag:s8] =	dma.local @!p0 [hbm:s6], $0xF7A  }
0x23: {  	s9 =	sor.u32 $0xD0000000, s2;
	s6 =	simm.s32 $0x108;
	_ =	swait.ge @!p0 [sflag:s8], $0x0  }
0x24: {  	s3 =	sadd.s32 $0x88, s3;
	s6 =	simm.s32 @!p1 $0x1082;
	[sflag:s4] =	ssyncset.s32 $0xFFFFF086  }
0x25: {  	[simem:s6], [sflag:s4] =	dma.local [hbm:s3], $0xF7A  }
0x26: {  	[smem:$0x3F85] =	sst s1;
	(tag) =	ssettag s2;
	_ =	strace s9  }
0x27: {  	s1 =	sld [smem:$0x3F95]  }
0x28: {  	s2 =	sld [smem:$0x3F96]  }
0x29: {  	s4 =	sld [smem:$0x3F98]  }
0x2a: {  	p0 =	seq.s32 s5, $0x0;
	s5 =	sld [smem:$0x3F99]  }
0x2b: {  	s6 =	sld [smem:$0x3F9A]  }
0x2c: {  	s7 =	sld [smem:$0x3F9B]  }
0x2d: {  	s3 =	simm.s32 $0x108;
	s8 =	sld [smem:$0x3F9C]  }
0x2e: {  	s3 =	simm.s32 @!p0 $0x1082;
	s9 =	sld [smem:$0x3F9D]  }
0x2f: {  	lr =	sadd.s32 s0, s3;
	s0 =	sld [smem:$0x3F94]  }
0x30: {  	s3 =	sld [smem:$0x3F97]  }
0x31: {  	[smem:$0x3FA0] =	sst s10  }
0x32: {  	s10 =	sld [smem:$0x3F9E];
	_ =	sdelay $0x3  }
0x33: {  	p0 =	seq.s32 s10, $0x1;
	s10 =	sld [smem:$0x3FA0];
	_ =	sdelay $0x3  }
0x34: {  	[smem:$0x3FA0] =	sst s10  }
0x35: {  	s10 =	sld [smem:$0x3F9F];
	_ =	sdelay $0x3  }
0x36: {  	p1 =	seq.s32 s10, $0x1;
	s10 =	sld [smem:$0x3FA0];
	_ =	sdelay $0x3  }
0x37: {  	[smem:$0x3FA0] =	sst s10  }
0x38: {  	s10 =	sld [smem:$0x3FA1]  }
0x39: {  	_ = 	snop;
	(pc) =	sbr.ind lr, $3  }
0x3a: {  	_ = 	snop  }
0x3b: {  	_ = 	snop  }
0x3c: {  	p2 =	seq.s32 s10, $0x1;
	s10 =	sld [smem:$0x3FA0]  }
0x3d: {  	_ =	shalt  }
0x3e: {  	_ =	shalt  }
0x3f: {  	_ =	shalt  }
0x40: {  	_ =	shalt  }
0x41: {  	_ =	shalt  }
0x42: {  	_ =	shalt  }
0x43: {  	_ =	shalt  }
0x44: {  	_ =	shalt  }
0x45: {  	_ =	shalt  }
0x46: {  	_ =	shalt  }
0x47: {  	_ =	shalt  }
0x48: {  	_ =	shalt  }
0x49: {  	_ =	shalt  }
0x4a: {  	_ =	shalt  }
0x4b: {  	_ =	shalt  }
0x4c: {  	_ =	shalt  }
0x4d: {  	_ =	shalt  }
0x4e: {  	_ =	shalt  }
0x4f: {  	_ =	shalt  }
0x50: {  	_ =	shalt  }
0x51: {  	_ =	shalt  }
0x52: {  	_ =	shalt  }
0x53: {  	_ =	shalt  }
0x54: {  	_ =	shalt  }
0x55: {  	_ =	shalt  }
0x56: {  	_ =	shalt  }
0x57: {  	_ =	shalt  }
0x58: {  	_ =	shalt  }
0x59: {  	_ =	shalt  }
0x5a: {  	_ =	shalt  }
0x5b: {  	_ =	shalt  }
0x5c: {  	_ =	shalt  }
0x5d: {  	_ =	shalt  }
0x5e: {  	_ =	shalt  }
0x5f: {  	_ =	shalt  }
0x60: {  	_ =	shalt  }
0x61: {  	_ =	shalt  }
0x62: {  	_ =	shalt  }
0x63: {  	_ =	shalt  }
0x64: {  	_ =	shalt  }
0x65: {  	_ =	shalt  }
0x66: {  	_ =	shalt  }
0x67: {  	_ =	shalt  }
0x68: {  	_ =	shalt  }
0x69: {  	_ =	shalt  }
0x6a: {  	_ =	shalt  }
0x6b: {  	_ =	shalt  }
0x6c: {  	_ =	shalt  }
0x6d: {  	_ =	shalt  }
0x6e: {  	_ =	shalt  }
0x6f: {  	_ =	shalt  }
0x70: {  	_ =	shalt  }
0x71: {  	_ =	shalt  }
0x72: {  	_ =	shalt  }
0x73: {  	_ =	shalt  }
0x74: {  	_ =	shalt  }
0x75: {  	_ =	shalt  }
0x76: {  	_ =	shalt  }
0x77: {  	_ =	shalt  }
0x78: {  	_ =	shalt  }
0x79: {  	_ =	shalt  }
0x7a: {  	_ =	shalt  }
0x7b: {  	_ =	shalt  }
0x7c: {  	_ =	shalt  }
0x7d: {  	_ =	shalt  }
0x7e: {  	_ =	shalt  }
0x7f: {  	_ =	shalt  }
0x80: {  	_ =	shalt  }
0x81: {  	_ =	shalt  }
0x82: {  	_ =	shalt  }
0x83: {  	_ =	shalt  }
0x84: {  	_ =	shalt  }
0x85: {  	_ =	shalt  }
0x86: {  	_ =	shalt  }
0x87: {  	_ =	shalt  }
.Lfunc_end0:
.L_simem_size_0:
called_computation_lowered:
.L_overlay_start_0:
0x88: {  	s2 =	sld [smem:$0x3FD9]  }
0x89: {  	s3 =	sld [smem:$0x3FFE];
	_ =	sdelay $0x1  }
0x8a: {  	s1 =	srdreg.scid  }
0x8b: {  	s0 =	sand.u32 $0x1, s1  }
0x8c: {  	s17 =	sshll.u32 s0, $0xA;
	s2 =	sadd.s32 s3, s2  }
0x8d: {  	s2 =	sadd.s32 s2, s17  }
0x8e: {  	[smem:$0x3FAC] =	sst s2  }
0x8f: {  	_ = 	snop  }
0x90: {  	s2 =	sld [smem:$0x3FC9]  }
0x91: {  	s18 =	sld [smem:$0x3FC8];
	(tm) =	ssettm $0x1  }
0x92: {  	s4 =	sld [smem:$0x3FFB];
	_ =	sdelay $0x3  }
0x93: {  	_ =	strace s4  }
0x94: {  	s4 =	sld [smem:$0x3FFC];
	_ =	sdelay $0x3  }
0x95: {  	_ =	strace s4  }
0x96: {  	s4 =	sld [smem:$0x3FFD];
	_ =	sdelay $0x3  }
0x97: {  	_ =	strace s4  }
0x98: {  	_ =	strace $0x8FFFFFFF  }
0x99: {  	s19 =	sld [smem:$0x3FDB];
	_ =	sdelay $0x1  }
0x9a: {  	s5 =	simm.s32 $_scs_section_size  }
0x9b: {  	s6 =	simm.s32 $_size__tile_overlayer_lowered;
	s7 =	simm.s32 $_tile_overlayer_lowered  }
0x9c: {  	s22 =	simm.s32 $0x1BFF;
	s21 =	sshll.u32 s7, $0x1;
	s4 =	sadd.s32 s5, s19  }
0x9d: {  	s8 =	simm.s32 $0x0;
	s20 =	sshll.u32 s6, $0x1;
	s6 =	sadd.s32 s21, s4  }
0x9e: {  	[timem:s8], [sflag:s22] =	dma.local [hbm:s6], s20  }
0x9f: {  	_ =	swait.ge [sflag:s22], s20  }
0xa0: {  	s5 =	ssub.s32 $0x0, s20;
	[sflag:s22] =	ssyncset.done $0x0  }
0xa1: {  	[sflag:s22] =	ssyncadd.s32 s5;
	_ =	sdelay $0x1  }
0xa2: {  	s23 =	simm.s32 $0x1B8B  }
0xa3: {  	_ =	swait.ge [sflag:s23], $0x1  }
0xa4: {  	[sflag:s23] =	ssyncset.done $0x0  }
0xa5: {  	s25 =	simm.s32 $0x1B8E;
	s24 =	sld [smem:$0x3FFE];
	[sflag:s23] =	ssyncadd.s32 $0xFFFFFFFF  }
0xa6: {  	s26 =	simm.s32 $execute0_lowered;
	[smem:$0x3FD2] =	sst s25  }
0xa7: {  	s6 =	sshll.u32 s26, $0x1;
	_ =	strace $0x80000046;
	[dreg:$0x1] =	wrdreg $0xFFFFFFFF  }
0xa8: {  	s28 =	simm.s32 $_size_execute0_lowered;
	s4 =	sadd.s32 s4, s6;
	[dreg:$0x0] =	wrdreg $0x0  }
0xa9: {  	s6 =	sshll.u32 s28, $0x1;
	[dreg:$0x2] =	wrdreg s4  }
0xaa: {  	[dreg:$0x3] =	wrdreg s6  }
0xab: {  	[dreg:$0x4] =	wrdreg $0xC0  }
0xac: {  	_ =	task [dreg:s8], $0x5FFFF  }
0xad: {  	[dreg:$0x1] =	wrdreg $0xFFFFFFFF  }
0xae: {  	[dreg:$0x0] =	wrdreg $0x60  }
0xaf: {  	[dreg:$0x2] =	wrdreg s24  }
0xb0: {  	[dreg:$0x3] =	wrdreg s2  }
0xb1: {  	[dreg:$0x4] =	wrdreg s18  }
0xb2: {  	[dreg:$0x5] =	wrdreg $0x9  }
0xb3: {  	_ =	task.clear_ibuf [dreg:s8], $0x6FFFF;
	_ =	strace $0x90000046  }
0xb4: {  	s29 =	simm.s32 $0x9;
	_ =	strace $0x80000048  }
0xb5: {  	_ =	swait.ge [sflag:s29], $0x1  }
0xb6: {  	[sflag:s29] =	ssyncadd.s32 $0xFFFFFFFF  }
0xb7: {  	_ =	strace $0x90000048  }
0xb8: {  	_ =	sfence  }
0xb9: {  	s30 =	sld [smem:$0x0];
	_ =	sdelay $0x2  }
0xba: {  	s31 =	sshll.u32 s1, $0xD;
	s1 =	sshrl.u32 s1, $0x2  }
0xbb: {  	s3 =	sand.u32 $0x4000, s31;
	s1 =	sadd.s32 s1, s30  }
0xbc: {  	s0 =	sor.u32 s3, s0;
	s1 =	sshll.u32 s1, $0x11  }
0xbd: {  	s0 =	sor.u32 s1, s0  }
0xbe: {  	s0 =	sadd.s32 $0x8F2B, s0  }
0xbf: {  	[sflag:s0] =	ssyncadd.remote.s32 $0x1  }
0xc0: {  	_ =	sfence.sel $0xFFFF  }
0xc1: {  	[dreg:$0x0] =	wrdreg $0xFFFFFFFF;
	(pc) =	sbr.abs _section_cstart, $3  }
0xc2: {  	[dreg:$0x1] =	wrdreg $0xFFFFFFFF  }
0xc3: {  	_ =	task.clear_ibuf [dreg:s8], $0x2FFFF;
	_ =	strace $0x9FFFFFFF  }
0xc4: {  	(tm) =	ssettm $0x7FFFFFFF  }
0xc5: {  	_ =	shalt  }
tec
execute0_lowered:
.L_overlay_start_1:
0x0: {  	(tag) =	ssettag $0x1  }
0x1: {  	s0 =	rddreg [dreg:$0x0]  }
0x2: {  	s1 =	rddreg [dreg:$0x1]  }
0x3: {  	s4 =	rddreg [dreg:$0x2];
	s2 =	simm.s32 $0x0  }
0x4: {  	s3 =	srdreg.scid;
	s11 =	stileid.u32;
	s28 =	simm.s32 $0x6  }
0x5: {  	s29 =	simm.s32 $0xE000;
	s30 =	simm.s32 $0xC000;
	s31 =	simm.s32 $0x0  }
0x6: {  	[smem:$0x7FF] =	sst s2;
	s6 =	sand.u32 $0x1, s3;
	s25 =	sshll.u32 s11, $0x1  }
0x7: {  	s3 =	sadd.s32 $0x24F600, s0;
	s9 =	sadd.s32 $0x18C000, s0;
	s11 =	sshll.u32 s11, $0x14  }
0x8: {  	_ =	strace $0x80000047;
	s7 =	sor.u32 s6, s25;
	s8 =	ssub.s32 $0x2, s6  }
0x9: {  	[dreg:$0xc] =	wrdreg s9;
	s5 =	sshll.u32 s7, $0xA;
	s10 =	sshrl.u32 s8, $0x1  }
0xa: {  	s13 =	sshll.u32 s7, $0x4;
	s26 =	sadd.s32 s5, s0;
	s0 =	sadd.s32 $0x312C00, s0  }
0xb: {  	s10 =	ssub.s32 s8, s10;
	s8 =	sadd.s32 s4, s13;
	s12 =	sadd.s32 $0x5600, s26  }
0xc: {  	s7 =	sadd.s32 $0xD600, s26;
	[dreg:$0xd] =	wrdreg s12;
	s12 =	sshll.u32 s6, $0x13  }
0xd: {  	s9 =	sadd.s32 $0x15600, s26;
	s10 =	smax.u32 s10, $0x1;
	s14 =	sor.u32 s12, s11  }
0xe: {  	s6 =	sadd.s32 s1, s13;
	s13 =	simm.s32 $0x4000;
	s15 =	sshrl.u32 s14, $0x3  }
0xf: {  	s11 =	sor.u32 $0xE000, s14;
	s17 =	sor.u32 $0xC000, s14;
	s19 =	sor.u32 $0xA000, s14  }
0x10: {  	s12 =	sor.u32 $0x8000, s14;
	s23 =	sor.u32 $0x6000, s14;
	s25 =	sor.u32 $0x4000, s14  }
0x11: {  	s1 =	sor.u32 $0x2000, s14;
	s14 =	simm.s32 $0x6000;
	s4 =	sadd.s32 s15, s0  }
0x12: {  	s11 =	sshrl.u32 s11, $0x3;
	s18 =	sshrl.u32 s17, $0x3;
	s21 =	sshrl.u32 s12, $0x3  }
0x13: {  	s24 =	sshrl.u32 s23, $0x3;
	s1 =	sshrl.u32 s1, $0x3;
	s12 =	simm.s32 $0x80  }
0x14: {  	s15 =	simm.s32 $0x1;
	s17 =	simm.s32 $0x5000;
	s23 =	simm.s32 $0x3  }
0x15: {  	[dreg:$0x4] =	wrdreg s4;
	s16 =	sadd.s32 s11, s0;
	s4 =	sadd.s32 s18, s0  }
0x16: {  	s11 =	sshrl.u32 s19, $0x3;
	s22 =	sadd.s32 s21, s0;
	[dreg:$0x5] =	wrdreg s16  }
0x17: {  	s18 =	simm.s32 $0x8000;
	s19 =	simm.s32 $0x2;
	[dreg:$0x6] =	wrdreg s4  }
0x18: {  	s21 =	simm.s32 $0xA000;
	s20 =	sadd.s32 s11, s0;
	[dreg:$0x8] =	wrdreg s22  }
0x19: {  	s4 =	sadd.s32 s24, s0;
	s11 =	sshrl.u32 s25, $0x3;
	s16 =	simm.s32 $0x40  }
0x1a: {  	s22 =	simm.s32 $0x9000;
	s24 =	simm.s32 $0xB000;
	[dreg:$0x7] =	wrdreg s20  }
0x1b: {  	s25 =	simm.s32 $0x4;
	[dreg:$0x9] =	wrdreg s4;
	s26 =	sadd.s32 s11, s0  }
0x1c: {  	s0 =	sadd.s32 s1, s0;
	s11 =	simm.s32 $0x7;
	[dreg:$0xa] =	wrdreg s26  }
0x1d: {  	s20 =	simm.s32 $0x7000;
	[dreg:$0xb] =	wrdreg s0;
	s26 =	simm.s32 $0x5  }
.LBB2_1:
0x1e: {  	s0 =	rddreg [dreg:$0xd]  }
0x1f: {  	[tilespmem:s2], [sflag:$0x7] =	stream.linear.gather [hbm4b:s0+s2], $0x2000, $0x38;
	[tilespmem:$0xE080] =	vst v63  }
0x20: {  	_ =	swait.ge [sflag:s11], $0x2000  }
0x21: {  	[sflag:s11] =	ssyncset.done $0x0  }
0x22: {  	s0 =	simm.s32 $0x0;
	[sflag:s11] =	ssyncadd.s32 $0xFFFFE000  }
0x23: {  	v3 =	vld [tilespmem:s0+$0x70]  }
0x24: {  	v4 =	vld [tilespmem:s0+$0x0]  }
0x25: {  	v5 =	vld [tilespmem:s0+$0x10]  }
0x26: {  	v2 =	vld [tilespmem:s0+$0x40]  }
0x27: {  	v0 =	vld [tilespmem:s0+$0x50]  }
0x28: {  	v1 =	vld [tilespmem:s0+$0x20];
	[tilespmem:s0+$0x2070] =	vst v3  }
0x29: {  	[tilespmem:s0+$0x2000] =	vst v4;
	v3 =	vld [tilespmem:s0+$0x30]  }
0x2a: {  	s1 =	simm.s32 $0x80;
	s4 =	simm.s32 $0x400;
	[tilespmem:s0+$0x2010] =	vst v5;
	v4 =	vld [tilespmem:s0+$0x60]  }
.LBB2_2:
0x2b: {  	p0 =	sne.s32 s4, $0x7E00;
	v5 =	vld [tilespmem:s1+$0x70];
	[tilespmem:s0+$0x2020] =	vst v2  }
0x2c: {  	v6 =	vld [tilespmem:s1+$0x0];
	[tilespmem:s0+$0x2030] =	vst v0  }
0x2d: {  	v7 =	vld [tilespmem:s1+$0x10];
	[tilespmem:s0+$0x2040] =	vst v1  }
.Ltmp0:
0x2e: {  	v2 =	vld [tilespmem:s1+$0x40];
	[tilespmem:s0+$0x2050] =	vst v3;
	(pc) =	sbr.rel @p0 .LBB2_2-.Ltmp0, $4  }
0x2f: {  	v0 =	vld [tilespmem:s1+$0x50];
	[tilespmem:s0+$0x2060] =	vst v4;
	s0 =	smov.u32 s1  }
0x30: {  	v1 =	vld [tilespmem:s0+$0x20];
	[tilespmem:s0+$0x2070] =	vst v5  }
0x31: {  	[tilespmem:s0+$0x2000] =	vst v6;
	v3 =	vld [tilespmem:s0+$0x30]  }
0x32: {  	s1 =	sshra.s32 s4, $0x2;
	s4 =	sadd.s32 $0x200, s4;
	[tilespmem:s0+$0x2010] =	vst v7;
	v4 =	vld [tilespmem:s0+$0x60]  }
0x33: {  	v5 =	vld [tilespmem:s1+$0x70];
	[tilespmem:s0+$0x2020] =	vst v2  }
0x34: {  	v2 =	vld [tilespmem:s1+$0x0];
	[tilespmem:s0+$0x2030] =	vst v0  }
0x35: {  	v0 =	vld [tilespmem:s1+$0x10];
	[tilespmem:s0+$0x2040] =	vst v1  }
0x36: {  	v1 =	vld [tilespmem:s1+$0x40];
	[tilespmem:s0+$0x2050] =	vst v3  }
0x37: {  	v3 =	vld [tilespmem:s1+$0x50];
	[tilespmem:s0+$0x2060] =	vst v4  }
0x38: {  	v4 =	vld [tilespmem:s1+$0x20];
	[tilespmem:s1+$0x2070] =	vst v5  }
0x39: {  	v62 =	vld [tilespmem:s1+$0x30];
	[tilespmem:s1+$0x2000] =	vst v2  }
0x3a: {  	v63 =	vld [tilespmem:s1+$0x60];
	[tilespmem:s1+$0x2010] =	vst v0  }
0x3b: {  	[tilespmem:s1+$0x2020] =	vst v1  }
0x3c: {  	[tilespmem:s1+$0x2030] =	vst v3  }
0x3d: {  	[tilespmem:s1+$0x2040] =	vst v4  }
0x3e: {  	[tilespmem:s1+$0x2050] =	vst v62  }
0x3f: {  	s0 =	simm.s32 $0x2000;
	[tilespmem:s1+$0x2060] =	vst v63  }
0x40: {  	[tilespmem:s13], [sflag:$0x1] =	stream.indirect.gather [hbm4b:s3+s12], $0x40, s0, s12, $0xb8;
	[tilespmem:$0xE080] =	vst v63  }
0x41: {  	s5 =	simm.s32 $0x2080  }
0x42: {  	[tilespmem:s14], [sflag:$0x2] =	stream.indirect.gather [hbm4b:s3+s12], $0x40, s5, s12, $0xb8;
	[tilespmem:$0xE080] =	vst v63  }
0x43: {  	_ =	swait.ge [sflag:s15], $0x2000  }
0x44: {  	s4 =	rddreg [dreg:$0x4];
	[sflag:s15] =	ssyncset.done $0x0  }
0x45: {  	[sflag:s15] =	ssyncadd.s32 $0xFFFFE000;
	s1 =	sadd.s32 $0x0, s4  }
0x46: {  	[hbm4b:s1+s16] =	stream.strided.scatter [tilespmem:s13], [sflag:$0x3], $0x1000, s12, s16, $0x38;
	[tilespmem:$0xE080] =	vst v63  }
0x47: {  	s1 =	sadd.s32 $0x8, s1  }
0x48: {  	[hbm4b:s1+s16] =	stream.strided.scatter [tilespmem:s17], [sflag:$0x3], $0x1000, s12, s16, $0x38;
	[tilespmem:$0xE080] =	vst v63  }
0x49: {  	s5 =	simm.s32 $0x2100  }
0x4a: {  	[tilespmem:s18], [sflag:$0x1] =	stream.indirect.gather [hbm4b:s3+s12], $0x40, s5, s12, $0xb8;
	[tilespmem:$0xE080] =	vst v63  }
0x4b: {  	_ =	swait.ge [sflag:s19], $0x2000  }
0x4c: {  	s4 =	rddreg [dreg:$0xb];
	[sflag:s19] =	ssyncset.done $0x0  }
0x4d: {  	[sflag:s19] =	ssyncadd.s32 $0xFFFFE000;
	s1 =	sadd.s32 $0x0, s4  }
0x4e: {  	[hbm4b:s1+s16] =	stream.strided.scatter [tilespmem:s14], [sflag:$0x4], $0x1000, s12, s16, $0x38;
	[tilespmem:$0xE080] =	vst v63  }
0x4f: {  	s1 =	sadd.s32 $0x8, s1  }
0x50: {  	[hbm4b:s1+s16] =	stream.strided.scatter [tilespmem:s20], [sflag:$0x4], $0x1000, s12, s16, $0x38;
	[tilespmem:$0xE080] =	vst v63  }
0x51: {  	s5 =	simm.s32 $0x2180  }
0x52: {  	[tilespmem:s21], [sflag:$0x2] =	stream.indirect.gather [hbm4b:s3+s12], $0x40, s5, s12, $0xb8;
	[tilespmem:$0xE080] =	vst v63  }
0x53: {  	_ =	swait.ge [sflag:s15], $0x2000  }
0x54: {  	s4 =	rddreg [dreg:$0xa];
	[sflag:s15] =	ssyncset.done $0x0  }
0x55: {  	[sflag:s15] =	ssyncadd.s32 $0xFFFFE000;
	s1 =	sadd.s32 $0x0, s4  }
0x56: {  	[hbm4b:s1+s16] =	stream.strided.scatter [tilespmem:s18], [sflag:$0x5], $0x1000, s12, s16, $0x38;
	[tilespmem:$0xE080] =	vst v63  }
0x57: {  	s1 =	sadd.s32 $0x8, s1  }
0x58: {  	[hbm4b:s1+s16] =	stream.strided.scatter [tilespmem:s22], [sflag:$0x5], $0x1000, s12, s16, $0x38;
	[tilespmem:$0xE080] =	vst v63  }
0x59: {  	_ =	swait.ge [sflag:s23], $0x1000  }
0x5a: {  	[sflag:s23] =	ssyncset.done $0x0  }
0x5b: {  	[sflag:s23] =	ssyncadd.s32 $0xFFFFF000  }
0x5c: {  	_ =	swait.ge [sflag:s23], $0x1000  }
0x5d: {  	[sflag:s23] =	ssyncset.done $0x0  }
0x5e: {  	s5 =	simm.s32 $0x2200;
	[sflag:s23] =	ssyncadd.s32 $0xFFFFF000  }
0x5f: {  	[tilespmem:s13], [sflag:$0x1] =	stream.indirect.gather [hbm4b:s3+s12], $0x40, s5, s12, $0xb8;
	[tilespmem:$0xE080] =	vst v63  }
0x60: {  	_ =	swait.ge [sflag:s19], $0x2000  }
0x61: {  	s4 =	rddreg [dreg:$0x9];
	[sflag:s19] =	ssyncset.done $0x0  }
0x62: {  	[sflag:s19] =	ssyncadd.s32 $0xFFFFE000;
	s1 =	sadd.s32 $0x0, s4  }
0x63: {  	[hbm4b:s1+s16] =	stream.strided.scatter [tilespmem:s21], [sflag:$0x6], $0x1000, s12, s16, $0x38;
	[tilespmem:$0xE080] =	vst v63  }
0x64: {  	s1 =	sadd.s32 $0x8, s1  }
0x65: {  	[hbm4b:s1+s16] =	stream.strided.scatter [tilespmem:s24], [sflag:$0x6], $0x1000, s12, s16, $0x38;
	[tilespmem:$0xE080] =	vst v63  }
0x66: {  	_ =	swait.ge [sflag:s25], $0x1000  }
0x67: {  	[sflag:s25] =	ssyncset.done $0x0  }
0x68: {  	[sflag:s25] =	ssyncadd.s32 $0xFFFFF000  }
0x69: {  	_ =	swait.ge [sflag:s25], $0x1000  }
0x6a: {  	[sflag:s25] =	ssyncset.done $0x0  }
0x6b: {  	s5 =	simm.s32 $0x2280;
	[sflag:s25] =	ssyncadd.s32 $0xFFFFF000  }
0x6c: {  	[tilespmem:s14], [sflag:$0x2] =	stream.indirect.gather [hbm4b:s3+s12], $0x40, s5, s12, $0xb8;
	[tilespmem:$0xE080] =	vst v63  }
0x6d: {  	_ =	swait.ge [sflag:s15], $0x2000  }
0x6e: {  	s4 =	rddreg [dreg:$0x8];
	[sflag:s15] =	ssyncset.done $0x0  }
0x6f: {  	[sflag:s15] =	ssyncadd.s32 $0xFFFFE000;
	s1 =	sadd.s32 $0x0, s4  }
0x70: {  	[hbm4b:s1+s16] =	stream.strided.scatter [tilespmem:s13], [sflag:$0x3], $0x1000, s12, s16, $0x38;
	[tilespmem:$0xE080] =	vst v63  }
0x71: {  	s1 =	sadd.s32 $0x8, s1  }
0x72: {  	[hbm4b:s1+s16] =	stream.strided.scatter [tilespmem:s17], [sflag:$0x3], $0x1000, s12, s16, $0x38;
	[tilespmem:$0xE080] =	vst v63  }
0x73: {  	_ =	swait.ge [sflag:s26], $0x1000  }
0x74: {  	[sflag:s26] =	ssyncset.done $0x0  }
0x75: {  	[sflag:s26] =	ssyncadd.s32 $0xFFFFF000  }
0x76: {  	_ =	swait.ge [sflag:s26], $0x1000  }
0x77: {  	[sflag:s26] =	ssyncset.done $0x0  }
0x78: {  	s5 =	simm.s32 $0x2300;
	[sflag:s26] =	ssyncadd.s32 $0xFFFFF000  }
0x79: {  	[tilespmem:s18], [sflag:$0x1] =	stream.indirect.gather [hbm4b:s3+s12], $0x40, s5, s12, $0xb8;
	[tilespmem:$0xE080] =	vst v63  }
0x7a: {  	_ =	swait.ge [sflag:s19], $0x2000  }
0x7b: {  	s4 =	rddreg [dreg:$0x7];
	[sflag:s19] =	ssyncset.done $0x0  }
0x7c: {  	[sflag:s19] =	ssyncadd.s32 $0xFFFFE000;
	s1 =	sadd.s32 $0x0, s4  }
0x7d: {  	[hbm4b:s1+s16] =	stream.strided.scatter [tilespmem:s14], [sflag:$0x4], $0x1000, s12, s16, $0x38;
	[tilespmem:$0xE080] =	vst v63  }
0x7e: {  	s1 =	sadd.s32 $0x8, s1  }
0x7f: {  	[hbm4b:s1+s16] =	stream.strided.scatter [tilespmem:s20], [sflag:$0x4], $0x1000, s12, s16, $0x38;
	[tilespmem:$0xE080] =	vst v63  }
0x80: {  	_ =	swait.ge [sflag:s28], $0x1000  }
0x81: {  	[sflag:s28] =	ssyncset.done $0x0  }
0x82: {  	[sflag:s28] =	ssyncadd.s32 $0xFFFFF000  }
0x83: {  	_ =	swait.ge [sflag:s28], $0x1000  }
0x84: {  	[sflag:s28] =	ssyncset.done $0x0  }
0x85: {  	s5 =	simm.s32 $0x2380;
	[sflag:s28] =	ssyncadd.s32 $0xFFFFF000  }
0x86: {  	[tilespmem:s21], [sflag:$0x2] =	stream.indirect.gather [hbm4b:s3+s12], $0x40, s5, s12, $0xb8;
	[tilespmem:$0xE080] =	vst v63  }
0x87: {  	_ =	swait.ge [sflag:s15], $0x2000  }
0x88: {  	s4 =	rddreg [dreg:$0x6];
	[sflag:s15] =	ssyncset.done $0x0  }
0x89: {  	[sflag:s15] =	ssyncadd.s32 $0xFFFFE000;
	s1 =	sadd.s32 $0x0, s4  }
0x8a: {  	[hbm4b:s1+s16] =	stream.strided.scatter [tilespmem:s18], [sflag:$0x5], $0x1000, s12, s16, $0x38;
	[tilespmem:$0xE080] =	vst v63  }
0x8b: {  	s1 =	sadd.s32 $0x8, s1  }
0x8c: {  	[hbm4b:s1+s16] =	stream.strided.scatter [tilespmem:s22], [sflag:$0x5], $0x1000, s12, s16, $0x38;
	[tilespmem:$0xE080] =	vst v63  }
0x8d: {  	_ =	swait.ge [sflag:s19], $0x2000  }
0x8e: {  	s5 =	rddreg [dreg:$0x5];
	[sflag:s19] =	ssyncset.done $0x0  }
0x8f: {  	[sflag:s19] =	ssyncadd.s32 $0xFFFFE000;
	s1 =	sadd.s32 $0x0, s5  }
0x90: {  	[hbm4b:s1+s16] =	stream.strided.scatter [tilespmem:s21], [sflag:$0x6], $0x1000, s12, s16, $0x38;
	[tilespmem:$0xE080] =	vst v63  }
0x91: {  	s1 =	sadd.s32 $0x8, s1  }
0x92: {  	[hbm4b:s1+s16] =	stream.strided.scatter [tilespmem:s24], [sflag:$0x6], $0x1000, s12, s16, $0x38;
	[tilespmem:$0xE080] =	vst v63  }
0x93: {  	_ =	swait.ge [sflag:s23], $0x1000  }
0x94: {  	[sflag:s23] =	ssyncset.done $0x0  }
0x95: {  	[sflag:s23] =	ssyncadd.s32 $0xFFFFF000  }
0x96: {  	_ =	swait.ge [sflag:s23], $0x1000  }
0x97: {  	[sflag:s23] =	ssyncset.done $0x0  }
0x98: {  	[sflag:s23] =	ssyncadd.s32 $0xFFFFF000  }
0x99: {  	_ =	swait.ge [sflag:s25], $0x1000  }
0x9a: {  	[sflag:s25] =	ssyncset.done $0x0  }
0x9b: {  	[sflag:s25] =	ssyncadd.s32 $0xFFFFF000  }
0x9c: {  	_ =	swait.ge [sflag:s25], $0x1000  }
0x9d: {  	[sflag:s25] =	ssyncset.done $0x0  }
0x9e: {  	[sflag:s25] =	ssyncadd.s32 $0xFFFFF000  }
0x9f: {  	_ =	swait.ge [sflag:s26], $0x1000  }
0xa0: {  	[sflag:s26] =	ssyncset.done $0x0  }
0xa1: {  	[sflag:s26] =	ssyncadd.s32 $0xFFFFF000  }
0xa2: {  	_ =	swait.ge [sflag:s26], $0x1000  }
0xa3: {  	[sflag:s26] =	ssyncset.done $0x0  }
0xa4: {  	[sflag:s26] =	ssyncadd.s32 $0xFFFFF000  }
0xa5: {  	_ =	swait.ge [sflag:s28], $0x1000  }
0xa6: {  	[sflag:s28] =	ssyncset.done $0x0  }
0xa7: {  	[sflag:s28] =	ssyncadd.s32 $0xFFFFF000  }
0xa8: {  	_ =	swait.ge [sflag:s28], $0x1000  }
0xa9: {  	s1 =	simm.s32 $0x2000;
	[sflag:s28] =	ssyncset.done $0x0  }
.LBB2_4:
0xaa: {  	[sflag:s28] =	ssyncadd.s32 $0xFFFFF000;
	s0 =	sadd.s32 $0x400, s0  }
0xab: {  	[tilespmem:s13], [sflag:$0x1] =	stream.indirect.gather [hbm4b:s3+s12], $0x40, s0, s12, $0xb8;
	[tilespmem:$0xE080] =	vst v63  }
0xac: {  	s5 =	sadd.s32 $0x80, s0  }
0xad: {  	[tilespmem:s14], [sflag:$0x2] =	stream.indirect.gather [hbm4b:s3+s12], $0x40, s5, s12, $0xb8;
	[tilespmem:$0xE080] =	vst v63  }
0xae: {  	_ =	swait.ge [sflag:s15], $0x2000  }
0xaf: {  	s4 =	smov.u32 s1;
	s5 =	rddreg [dreg:$0x4];
	[sflag:s15] =	ssyncset.done $0x0  }
0xb0: {  	[sflag:s15] =	ssyncadd.s32 $0xFFFFE000;
	s5 =	sadd.s32 s4, s5  }
0xb1: {  	[hbm4b:s5+s16] =	stream.strided.scatter [tilespmem:s13], [sflag:$0x3], $0x1000, s12, s16, $0x38;
	[tilespmem:$0xE080] =	vst v63  }
0xb2: {  	s5 =	sadd.s32 $0x8, s5  }
0xb3: {  	[hbm4b:s5+s16] =	stream.strided.scatter [tilespmem:s17], [sflag:$0x3], $0x1000, s12, s16, $0x38;
	[tilespmem:$0xE080] =	vst v63  }
0xb4: {  	s5 =	sadd.s32 $0x100, s0  }
0xb5: {  	[tilespmem:s18], [sflag:$0x1] =	stream.indirect.gather [hbm4b:s3+s12], $0x40, s5, s12, $0xb8;
	[tilespmem:$0xE080] =	vst v63  }
0xb6: {  	_ =	swait.ge [sflag:s19], $0x2000  }
0xb7: {  	s5 =	rddreg [dreg:$0xb];
	[sflag:s19] =	ssyncset.done $0x0  }
0xb8: {  	[sflag:s19] =	ssyncadd.s32 $0xFFFFE000;
	s5 =	sadd.s32 s4, s5  }
0xb9: {  	[hbm4b:s5+s16] =	stream.strided.scatter [tilespmem:s14], [sflag:$0x4], $0x1000, s12, s16, $0x38;
	[tilespmem:$0xE080] =	vst v63  }
0xba: {  	s5 =	sadd.s32 $0x8, s5  }
0xbb: {  	[hbm4b:s5+s16] =	stream.strided.scatter [tilespmem:s20], [sflag:$0x4], $0x1000, s12, s16, $0x38;
	[tilespmem:$0xE080] =	vst v63  }
0xbc: {  	s5 =	sadd.s32 $0x180, s0  }
0xbd: {  	[tilespmem:s21], [sflag:$0x2] =	stream.indirect.gather [hbm4b:s3+s12], $0x40, s5, s12, $0xb8;
	[tilespmem:$0xE080] =	vst v63  }
0xbe: {  	_ =	swait.ge [sflag:s15], $0x2000  }
0xbf: {  	s5 =	rddreg [dreg:$0xa];
	[sflag:s15] =	ssyncset.done $0x0  }
0xc0: {  	[sflag:s15] =	ssyncadd.s32 $0xFFFFE000;
	s5 =	sadd.s32 s4, s5  }
0xc1: {  	[hbm4b:s5+s16] =	stream.strided.scatter [tilespmem:s18], [sflag:$0x5], $0x1000, s12, s16, $0x38;
	[tilespmem:$0xE080] =	vst v63  }
0xc2: {  	s5 =	sadd.s32 $0x8, s5  }
0xc3: {  	[hbm4b:s5+s16] =	stream.strided.scatter [tilespmem:s22], [sflag:$0x5], $0x1000, s12, s16, $0x38;
	[tilespmem:$0xE080] =	vst v63  }
0xc4: {  	_ =	swait.ge [sflag:s23], $0x1000  }
0xc5: {  	[sflag:s23] =	ssyncset.done $0x0  }
0xc6: {  	[sflag:s23] =	ssyncadd.s32 $0xFFFFF000  }
0xc7: {  	_ =	swait.ge [sflag:s23], $0x1000  }
0xc8: {  	[sflag:s23] =	ssyncset.done $0x0  }
0xc9: {  	s5 =	sadd.s32 $0x200, s0;
	[sflag:s23] =	ssyncadd.s32 $0xFFFFF000  }
0xca: {  	[tilespmem:s13], [sflag:$0x1] =	stream.indirect.gather [hbm4b:s3+s12], $0x40, s5, s12, $0xb8;
	[tilespmem:$0xE080] =	vst v63  }
0xcb: {  	_ =	swait.ge [sflag:s19], $0x2000  }
0xcc: {  	s5 =	rddreg [dreg:$0x9];
	[sflag:s19] =	ssyncset.done $0x0  }
0xcd: {  	[sflag:s19] =	ssyncadd.s32 $0xFFFFE000;
	s5 =	sadd.s32 s4, s5  }
0xce: {  	[hbm4b:s5+s16] =	stream.strided.scatter [tilespmem:s21], [sflag:$0x6], $0x1000, s12, s16, $0x38;
	[tilespmem:$0xE080] =	vst v63  }
0xcf: {  	s5 =	sadd.s32 $0x8, s5  }
0xd0: {  	[hbm4b:s5+s16] =	stream.strided.scatter [tilespmem:s24], [sflag:$0x6], $0x1000, s12, s16, $0x38;
	[tilespmem:$0xE080] =	vst v63  }
0xd1: {  	_ =	swait.ge [sflag:s25], $0x1000  }
0xd2: {  	[sflag:s25] =	ssyncset.done $0x0  }
0xd3: {  	[sflag:s25] =	ssyncadd.s32 $0xFFFFF000  }
0xd4: {  	_ =	swait.ge [sflag:s25], $0x1000  }
0xd5: {  	[sflag:s25] =	ssyncset.done $0x0  }
0xd6: {  	s5 =	sadd.s32 $0x280, s0;
	[sflag:s25] =	ssyncadd.s32 $0xFFFFF000  }
0xd7: {  	[tilespmem:s14], [sflag:$0x2] =	stream.indirect.gather [hbm4b:s3+s12], $0x40, s5, s12, $0xb8;
	[tilespmem:$0xE080] =	vst v63  }
0xd8: {  	_ =	swait.ge [sflag:s15], $0x2000  }
0xd9: {  	s5 =	rddreg [dreg:$0x8];
	[sflag:s15] =	ssyncset.done $0x0  }
0xda: {  	[sflag:s15] =	ssyncadd.s32 $0xFFFFE000;
	s5 =	sadd.s32 s4, s5  }
0xdb: {  	[hbm4b:s5+s16] =	stream.strided.scatter [tilespmem:s13], [sflag:$0x3], $0x1000, s12, s16, $0x38;
	[tilespmem:$0xE080] =	vst v63  }
0xdc: {  	s5 =	sadd.s32 $0x8, s5  }
0xdd: {  	[hbm4b:s5+s16] =	stream.strided.scatter [tilespmem:s17], [sflag:$0x3], $0x1000, s12, s16, $0x38;
	[tilespmem:$0xE080] =	vst v63  }
0xde: {  	_ =	swait.ge [sflag:s26], $0x1000  }
0xdf: {  	[sflag:s26] =	ssyncset.done $0x0  }
0xe0: {  	[sflag:s26] =	ssyncadd.s32 $0xFFFFF000  }
0xe1: {  	_ =	swait.ge [sflag:s26], $0x1000  }
0xe2: {  	[sflag:s26] =	ssyncset.done $0x0  }
0xe3: {  	s5 =	sadd.s32 $0x300, s0;
	[sflag:s26] =	ssyncadd.s32 $0xFFFFF000  }
0xe4: {  	[tilespmem:s18], [sflag:$0x1] =	stream.indirect.gather [hbm4b:s3+s12], $0x40, s5, s12, $0xb8;
	[tilespmem:$0xE080] =	vst v63  }
0xe5: {  	_ =	swait.ge [sflag:s19], $0x2000  }
0xe6: {  	s5 =	rddreg [dreg:$0x7];
	[sflag:s19] =	ssyncset.done $0x0  }
0xe7: {  	[sflag:s19] =	ssyncadd.s32 $0xFFFFE000;
	s5 =	sadd.s32 s4, s5  }
0xe8: {  	[hbm4b:s5+s16] =	stream.strided.scatter [tilespmem:s14], [sflag:$0x4], $0x1000, s12, s16, $0x38;
	[tilespmem:$0xE080] =	vst v63  }
0xe9: {  	s5 =	sadd.s32 $0x8, s5  }
0xea: {  	[hbm4b:s5+s16] =	stream.strided.scatter [tilespmem:s20], [sflag:$0x4], $0x1000, s12, s16, $0x38;
	[tilespmem:$0xE080] =	vst v63  }
0xeb: {  	_ =	swait.ge [sflag:s28], $0x1000  }
0xec: {  	[sflag:s28] =	ssyncset.done $0x0  }
0xed: {  	[sflag:s28] =	ssyncadd.s32 $0xFFFFF000  }
0xee: {  	_ =	swait.ge [sflag:s28], $0x1000  }
0xef: {  	[sflag:s28] =	ssyncset.done $0x0  }
0xf0: {  	s5 =	sadd.s32 $0x380, s0;
	[sflag:s28] =	ssyncadd.s32 $0xFFFFF000  }
0xf1: {  	[tilespmem:s21], [sflag:$0x2] =	stream.indirect.gather [hbm4b:s3+s12], $0x40, s5, s12, $0xb8;
	[tilespmem:$0xE080] =	vst v63  }
0xf2: {  	_ =	swait.ge [sflag:s15], $0x2000  }
0xf3: {  	s5 =	rddreg [dreg:$0x6];
	[sflag:s15] =	ssyncset.done $0x0  }
0xf4: {  	[sflag:s15] =	ssyncadd.s32 $0xFFFFE000;
	s5 =	sadd.s32 s4, s5  }
0xf5: {  	[hbm4b:s5+s16] =	stream.strided.scatter [tilespmem:s18], [sflag:$0x5], $0x1000, s12, s16, $0x38;
	[tilespmem:$0xE080] =	vst v63  }
0xf6: {  	s5 =	sadd.s32 $0x8, s5  }
0xf7: {  	[hbm4b:s5+s16] =	stream.strided.scatter [tilespmem:s22], [sflag:$0x5], $0x1000, s12, s16, $0x38;
	[tilespmem:$0xE080] =	vst v63  }
0xf8: {  	_ =	swait.ge [sflag:s19], $0x2000  }
0xf9: {  	s5 =	rddreg [dreg:$0x5];
	[sflag:s19] =	ssyncset.done $0x0  }
0xfa: {  	[sflag:s19] =	ssyncadd.s32 $0xFFFFE000;
	s4 =	sadd.s32 s4, s5  }
0xfb: {  	[hbm4b:s4+s16] =	stream.strided.scatter [tilespmem:s21], [sflag:$0x6], $0x1000, s12, s16, $0x38;
	[tilespmem:$0xE080] =	vst v63  }
0xfc: {  	s4 =	sadd.s32 $0x8, s4  }
0xfd: {  	[hbm4b:s4+s16] =	stream.strided.scatter [tilespmem:s24], [sflag:$0x6], $0x1000, s12, s16, $0x38;
	[tilespmem:$0xE080] =	vst v63  }
0xfe: {  	_ =	swait.ge [sflag:s23], $0x1000  }
0xff: {  	[sflag:s23] =	ssyncset.done $0x0  }
0x100: {  	[sflag:s23] =	ssyncadd.s32 $0xFFFFF000  }
0x101: {  	_ =	swait.ge [sflag:s23], $0x1000  }
0x102: {  	[sflag:s23] =	ssyncset.done $0x0  }
0x103: {  	[sflag:s23] =	ssyncadd.s32 $0xFFFFF000  }
0x104: {  	_ =	swait.ge [sflag:s25], $0x1000  }
0x105: {  	[sflag:s25] =	ssyncset.done $0x0  }
0x106: {  	[sflag:s25] =	ssyncadd.s32 $0xFFFFF000  }
0x107: {  	_ =	swait.ge [sflag:s25], $0x1000  }
0x108: {  	[sflag:s25] =	ssyncset.done $0x0  }
0x109: {  	[sflag:s25] =	ssyncadd.s32 $0xFFFFF000  }
0x10a: {  	_ =	swait.ge [sflag:s26], $0x1000  }
0x10b: {  	[sflag:s26] =	ssyncset.done $0x0  }
0x10c: {  	[sflag:s26] =	ssyncadd.s32 $0xFFFFF000  }
0x10d: {  	_ =	swait.ge [sflag:s26], $0x1000  }
0x10e: {  	[sflag:s26] =	ssyncset.done $0x0  }
0x10f: {  	p0 =	sne.s32 s1, $0xE000;
	[sflag:s26] =	ssyncadd.s32 $0xFFFFF000  }
.Ltmp1:
0x110: {  	_ =	swait.ge [sflag:s28], $0x1000;
	(pc) =	sbr.rel @p0 .LBB2_4-.Ltmp1, $4  }
0x111: {  	[sflag:s28] =	ssyncset.done $0x0  }
0x112: {  	[sflag:s28] =	ssyncadd.s32 $0xFFFFF000  }
0x113: {  	_ =	swait.ge [sflag:s28], $0x1000  }
0x114: {  	s1 =	sadd.s32 $0x2000, s1;
	[sflag:s28] =	ssyncset.done $0x0  }
0x115: {  	[sflag:s28] =	ssyncadd.s32 $0xFFFFF000  }
0x116: {  	[tilespmem:s29], [sflag:$0x7] =	stream.linear.gather [hbm4b:s6+s2], $0x80, $0x38;
	[tilespmem:$0xE080] =	vst v63  }
0x117: {  	_ =	swait.ge [sflag:s11], $0x80  }
0x118: {  	[sflag:s11] =	ssyncset.done $0x0  }
0x119: {  	s0 =	rddreg [dreg:$0xc];
	[sflag:s11] =	ssyncadd.s32 $0xFFFFFF80  }
0x11a: {  	[tilespmem:s30], [sflag:$0x1] =	stream.indirect.gather [hbm4b:s0+s12], $0x40, s29, s12, $0xb8;
	[tilespmem:$0xE080] =	vst v63  }
0x11b: {  	_ =	swait.ge [sflag:s15], $0x2000  }
0x11c: {  	[sflag:s15] =	ssyncset.done $0x0  }
0x11d: {  	[sflag:s15] =	ssyncadd.s32 $0xFFFFE000  }
0x11e: {  	[hbm4b:s7+s2] =	stream.linear.scatter [tilespmem:s30], [sflag:$0x7], $0x2000, $0x38;
	[tilespmem:$0xE080] =	vst v63  }
0x11f: {  	_ =	swait.ge [sflag:s11], $0x2000  }
0x120: {  	[sflag:s11] =	ssyncset.done $0x0  }
0x121: {  	[sflag:s11] =	ssyncadd.s32 $0xFFFFE000  }
0x122: {  	[tilespmem:s29], [sflag:$0x7] =	stream.linear.gather [hbm4b:s8+s2], $0x80, $0x38;
	[tilespmem:$0xE080] =	vst v63  }
0x123: {  	_ =	swait.ge [sflag:s11], $0x80  }
0x124: {  	[sflag:s11] =	ssyncset.done $0x0  }
0x125: {  	[sflag:s11] =	ssyncadd.s32 $0xFFFFFF80  }
0x126: {  	[tilespmem:s30], [sflag:$0x1] =	stream.indirect.gather [hbm4b:s3+s12], $0x40, s29, s12, $0xb8;
	[tilespmem:$0xE080] =	vst v63  }
0x127: {  	s31 =	sadd.s32 $0x1, s31;
	_ =	swait.ge [sflag:s15], $0x2000  }
0x128: {  	p0 =	sne.s32 s31, s10;
	[sflag:s15] =	ssyncset.done $0x0  }
.Ltmp2:
0x129: {  	[sflag:s15] =	ssyncadd.s32 $0xFFFFE000;
	(pc) =	sbr.rel @p0 .LBB2_1-.Ltmp2, $4  }
0x12a: {  	[hbm4b:s9+s2] =	stream.linear.scatter [tilespmem:s30], [sflag:$0x7], $0x2000, $0x38;
	[tilespmem:$0xE080] =	vst v63  }
0x12b: {  	_ =	swait.ge [sflag:s11], $0x2000  }
0x12c: {  	[sflag:s11] =	ssyncset.done $0x0  }
0x12d: {  	[sflag:s11] =	ssyncadd.s32 $0xFFFFE000  }
0x12e: {  	_ =	sfence.sel $0x180000  }
0x12f: {  	[bflag:$0x0] =	sbarrier.arrive $0xFFFF  }
0x130: {  	_ =	strace $0x90000047  }
0x131: {  	s0 =	stileid.u32;
	[bflag:$0x2] =	sbarrier.arrive $0xFFFF  }
0x132: {  	p0 =	sne.s32 s0, $0x0;
	s0 =	rddreg [dreg:$0x3]  }
0x133: {  	s0 =	sadd.s32 @!p0 $0x100000, s0  }
0x134: {  	[sflag:s0] =	ssyncadd.tile.s32 @!p0 $0x1;
	_ =	shalt  }
.Lfunc_end2:
_tile_overlayer_lowered:
.L_overlay_start_2:
0x135: {  	(tag) =	ssettag $0x2  }
0x136: {  	s0 =	rddreg [dreg:$0x0];
	s2 =	stileid.u32  }
0x137: {  	s1 =	rddreg [dreg:$0x1];
	p0 =	sne.s32 s2, $0x0  }
0x138: {  	s3 =	rddreg [dreg:$0x2];
	[bflag:$0x3] =	sbarrier.arrive $0xFFFF;
	s2 =	simm.s32 @!p0 $0x1C07  }
0x139: {  	[timem:s3], [sflag:s2] =	dma.local @!p0 [hbm:s0], s1  }
0x13a: {  	s0 =	simm.s32 @!p0 $0x7  }
0x13b: {  	_ =	swait.ge @!p0 [sflag:s0], s1  }
0x13c: {  	s1 =	ssub.s32 @!p0 $0x0, s1;
	[sflag:s0] =	ssyncset.done @!p0 $0x0  }
0x13d: {  	[sflag:s0] =	ssyncadd.s32 @!p0 s1  }
0x13e: {  	[bflag:$0x3] =	sbarrier.arrive $0xFFFF  }
0x13f: {  	_ =	shalt  }

</sc_bundles>
